<compile_context>
chip_gen: v7x
topology: tpu7x:2x2x1
jax: 0.10.2.dev20260603
libtpu: 0.0.44.dev20260713+nightly
codegen_flags: <defaults>
</compile_context>

<pallas_src>
import functools

import jax
import jax.numpy as jnp
from jax import lax
from jax.experimental import pallas as pl
from jax.experimental.pallas import tpu as pltpu
from jax.experimental.pallas import tpu_sc as plsc


_CH = 128
_K = 2
_NBUF = 5
_LAG = 3


@functools.lru_cache(maxsize=None)
def _build(n_workers: int, n_cores: int, b_tot: int, vocab: int, d: int):
    b_per_w = b_tot // n_workers
    n_ch = b_per_w // _CH
    n_grp = n_ch // _K
    rounds = n_grp // _NBUF
    grp = _K * _CH
    mesh = plsc.VectorSubcoreMesh(core_axis_name="c", subcore_axis_name="s")

    scratch = [pltpu.VMEM((n_ch, _CH), jnp.int32)]
    scratch += [pltpu.VMEM((grp, d), jnp.float32) for _ in range(_NBUF)]
    scratch += [pltpu.SemaphoreType.DMA for _ in range(2 * _NBUF)]

    @functools.partial(
        pl.kernel,
        mesh=mesh,
        out_type=jax.ShapeDtypeStruct((b_tot, d), jnp.float32),
        compiler_params=pltpu.CompilerParams(use_tc_tiling_on_sc=False),
        scratch_types=scratch,
    )
    def emb(x_hbm, table_hbm, out_hbm, idx_v, *rest):
        bufs = rest[:_NBUF]
        gsem = rest[_NBUF:2 * _NBUF]
        wsem = rest[2 * _NBUF:]
        wid = lax.axis_index("s") * n_cores + lax.axis_index("c")
        base = wid * b_per_w
        pltpu.sync_copy(x_hbm.at[wid], idx_v)

        def g_copies(g, b):
            return [
                pltpu.make_async_copy(
                    table_hbm.at[idx_v.at[g * _K + j]],
                    bufs[b].at[pl.ds(j * _CH, _CH)], gsem[b])
                for j in range(_K)
            ]

        def w_copy(g, b):
            return pltpu.make_async_copy(
                bufs[b], out_hbm.at[pl.ds(base + g * grp, grp)], wsem[b])

        for b in range(_LAG):
            for cp in g_copies(b, b):
                cp.start()

        def body(r, carry):
            g0 = r * _NBUF
            for i in range(_NBUF):
                g = g0 + i
                fg = g + _LAG
                fb = (i + _LAG) % _NBUF

                @pl.when(fg < n_grp)
                def _():
                    @pl.when(fg >= _NBUF)
                    def _():
                        w_copy(fg - _NBUF, fb).wait()
                    for cp in g_copies(fg, fb):
                        cp.start()

                for cp in g_copies(g, i):
                    cp.wait()
                w_copy(g, i).start()
            return carry

        lax.fori_loop(0, rounds, body, 0)

        for b in range(_NBUF):
            w_copy(n_grp - _NBUF + b, (n_grp - _NBUF + b) % _NBUF).wait()

    return emb


def kernel(x, table):
    b, s = x.shape
    vocab, d = table.shape
    info = plsc.get_sparse_core_info()
    n_workers = info.num_cores * info.num_subcores
    b_tot = b * s
    b_per_w = b_tot // n_workers
    xf = x.reshape(n_workers, b_per_w // _CH, _CH)
    emb = _build(n_workers, info.num_cores, b_tot, vocab, d)
    out = emb(xf, table)
    return out.reshape(b, s, d)

# --- scband reference (transcript-rebuilt; emitter-appended) ---
"""Pipeline reference for scband-word-embedding-66614942761449 (READ-ONLY COPY).

The authoritative reference and input builder live on the scoring server;
editing this copy changes nothing except your own understanding.
"""

import jax, jax.numpy as jnp
import numpy as np

VOCAB = 1000000
EMB_DIM = 64
BATCH = 4096
SEQ = 200

def setup_inputs(seed: int = 0) -> dict:
    key = jax.random.key(seed)
    k_idx, k_tab = jax.random.split(key)
    x = jax.random.randint(k_idx, (BATCH, SEQ), 0, VOCAB, dtype=jnp.int64 if jax.config.jax_enable_x64 else jnp.int32).astype(jnp.int32)
    table = jax.random.normal(k_tab, (VOCAB, EMB_DIM), dtype=jnp.float32)
    # padding_idx=0: torch initializes that row to zeros
    table = table.at[0].set(0.0)
    return {"x": x, "table": table}

def reference(x, table):
    # nn.Embedding lookup (padding_idx only affects init/grad, not the gather math)
    out = jnp.take(table, x, axis=0)  # [B, S, emb_dim]
    # projection: emb_dim == hidden_dim -> nn.Identity()
    # dropout p=0.0 -> identity
    return out

if __name__ == "__main__":
    import jax
    _d = setup_inputs()
    print(jax.jit(kernel)(*tuple(_d.values())))

</pallas_src>

<mosaic_0001>
#map = affine_map<(d0, d1) -> (0, 0, 0)>
#map1 = affine_map<(d0, d1) -> (0, 0)>
module attributes {stable_mosaic.version = 14 : i64} {
  func.func @emb(%arg0: i32, %arg1: i32, %arg2: memref<32x200x128xi32, #tpu.memory_space<hbm>>, %arg3: memref<1000000x64xf32, #tpu.memory_space<hbm>>, %arg4: memref<819200x64xf32, #tpu.memory_space<hbm>>, %arg5: memref<200x128xi32, #tpu.memory_space<vmem>>, %arg6: memref<256x64xf32, #tpu.memory_space<vmem>>, %arg7: memref<256x64xf32, #tpu.memory_space<vmem>>, %arg8: memref<256x64xf32, #tpu.memory_space<vmem>>, %arg9: memref<256x64xf32, #tpu.memory_space<vmem>>, %arg10: memref<256x64xf32, #tpu.memory_space<vmem>>, %arg11: memref<!tpu.dma_semaphore, #tpu.memory_space<semaphore_mem>>, %arg12: memref<!tpu.dma_semaphore, #tpu.memory_space<semaphore_mem>>, %arg13: memref<!tpu.dma_semaphore, #tpu.memory_space<semaphore_mem>>, %arg14: memref<!tpu.dma_semaphore, #tpu.memory_space<semaphore_mem>>, %arg15: memref<!tpu.dma_semaphore, #tpu.memory_space<semaphore_mem>>, %arg16: memref<!tpu.dma_semaphore, #tpu.memory_space<semaphore_mem>>, %arg17: memref<!tpu.dma_semaphore, #tpu.memory_space<semaphore_mem>>, %arg18: memref<!tpu.dma_semaphore, #tpu.memory_space<semaphore_mem>>, %arg19: memref<!tpu.dma_semaphore, #tpu.memory_space<semaphore_mem>>, %arg20: memref<!tpu.dma_semaphore, #tpu.memory_space<semaphore_mem>>) attributes {dimension_semantics = [#tpu.dimension_semantics<core_parallel>, #tpu.dimension_semantics<subcore_parallel>], iteration_bounds = array<i64: 2, 16>, scalar_prefetch = 0 : i64, scratch_operands = 16 : i64, tpu.core_type = #tpu.core_type<sc_vector_subcore>, window_params = [{transform_indices = #map}, {transform_indices = #map1}, {transform_indices = #map1}]} {
    %mul3A = arith.constant 2 : i32
    %mul3A_0 = arith.muli %arg1, %mul3A : i32
    %add3A = arith.addi %mul3A_0, %arg0 : i32
    %mul3A_1 = arith.constant 25600 : i32
    %mul3A_2 = arith.muli %add3A, %mul3A_1 : i32
    "tpu.region"() ({
      %run_scoped3A = tpu.sem_alloc : memref<!tpu.dma_semaphore, #tpu.memory_space<semaphore_mem>>
      %dma_start3A_96 = arith.constant 0 : i32
      %dma_start3A_97 = arith.constant 0 : i32
      %dma_start3A_98 = tpu.memref_slice %arg2[%add3A, %dma_start3A_96, %dma_start3A_97] : memref<32x200x128xi32, #tpu.memory_space<hbm>> -> memref<1x200x128xi32, #tpu.memory_space<hbm>>
      %dma_start3A_99 = tpu.memref_squeeze %dma_start3A_98 : memref<1x200x128xi32, #tpu.memory_space<hbm>> -> memref<200x128xi32, #tpu.memory_space<hbm>>
      %dma_start3A_100 = arith.constant 0 : i32
      %dma_start3A_101 = arith.constant 0 : i32
      %dma_start3A_102 = tpu.memref_slice %arg2[%add3A, %dma_start3A_100, %dma_start3A_101] : memref<32x200x128xi32, #tpu.memory_space<hbm>> -> memref<1x200x128xi32, #tpu.memory_space<hbm>>
      %dma_start3A_103 = tpu.memref_squeeze %dma_start3A_102 : memref<1x200x128xi32, #tpu.memory_space<hbm>> -> memref<200x128xi32, #tpu.memory_space<hbm>>
      tpu.enqueue_dma source(%dma_start3A_103 : memref<200x128xi32, #tpu.memory_space<hbm>>) target(%arg5 : memref<200x128xi32, #tpu.memory_space<vmem>>) target_semaphore(%run_scoped3A : memref<!tpu.dma_semaphore, #tpu.memory_space<semaphore_mem>>)
      %dma_wait3A_104 = arith.constant 0 : i32
      %dma_wait3A_105 = arith.constant 0 : i32
      %dma_wait3A_106 = tpu.memref_slice %arg2[%add3A, %dma_wait3A_104, %dma_wait3A_105] : memref<32x200x128xi32, #tpu.memory_space<hbm>> -> memref<1x200x128xi32, #tpu.memory_space<hbm>>
      %dma_wait3A_107 = tpu.memref_squeeze %dma_wait3A_106 : memref<1x200x128xi32, #tpu.memory_space<hbm>> -> memref<200x128xi32, #tpu.memory_space<hbm>>
      %dma_wait3A_108 = arith.constant 0 : i32
      %dma_wait3A_109 = arith.constant 0 : i32
      %dma_wait3A_110 = tpu.memref_slice %arg2[%add3A, %dma_wait3A_108, %dma_wait3A_109] : memref<32x200x128xi32, #tpu.memory_space<hbm>> -> memref<1x200x128xi32, #tpu.memory_space<hbm>>
      %dma_wait3A_111 = tpu.memref_squeeze %dma_wait3A_110 : memref<1x200x128xi32, #tpu.memory_space<hbm>> -> memref<200x128xi32, #tpu.memory_space<hbm>>
      tpu.wait_dma2 semaphore(%run_scoped3A : memref<!tpu.dma_semaphore, #tpu.memory_space<semaphore_mem>>) src(%dma_wait3A_111 : memref<200x128xi32, #tpu.memory_space<hbm>>) dst(%arg5 : memref<200x128xi32, #tpu.memory_space<vmem>>)
      tpu.yield
    }) : () -> ()
    %dma_start3A = arith.constant 0 : i32
    %dma_start3A_3 = arith.constant 0 : i32
    %dma_start3A_4 = arith.constant 0 : i32
    %dma_start3A_5 = tpu.memref_slice %arg6[%dma_start3A_3, %dma_start3A_4] : memref<256x64xf32, #tpu.memory_space<vmem>> -> memref<128x64xf32, #tpu.memory_space<vmem>>
    %dma_start3A_6 = arith.constant 0 : i32
    %dma_start3A_7 = tpu.memref_slice %arg5[%dma_start3A, %dma_start3A_6] : memref<200x128xi32, #tpu.memory_space<vmem>> -> memref<1x128xi32, #tpu.memory_space<vmem>>
    %dma_start3A_8 = tpu.memref_squeeze %dma_start3A_7 : memref<1x128xi32, #tpu.memory_space<vmem>> -> memref<128xi32, #tpu.memory_space<vmem>>
    %dma_start3A_9 = arith.constant 0 : i32
    %dma_start3A_10 = arith.constant 0 : i32
    %dma_start3A_11 = tpu.memref_slice %arg3[%dma_start3A_9, %dma_start3A_10] : memref<1000000x64xf32, #tpu.memory_space<hbm>> -> memref<1000000x64xf32, #tpu.memory_space<hbm>>
    tpu.enqueue_indirect_dma source(%dma_start3A_11 : memref<1000000x64xf32, #tpu.memory_space<hbm>>) target(%dma_start3A_5 : memref<128x64xf32, #tpu.memory_space<vmem>>) offsets(%dma_start3A_8 : memref<128xi32, #tpu.memory_space<vmem>>) semaphore(%arg11 : memref<!tpu.dma_semaphore, #tpu.memory_space<semaphore_mem>>)
    %dma_start3A_12 = arith.constant 1 : i32
    %dma_start3A_13 = arith.constant 128 : i32
    %dma_start3A_14 = arith.constant 0 : i32
    %dma_start3A_15 = tpu.memref_slice %arg6[%dma_start3A_13, %dma_start3A_14] : memref<256x64xf32, #tpu.memory_space<vmem>> -> memref<128x64xf32, #tpu.memory_space<vmem>>
    %dma_start3A_16 = arith.constant 0 : i32
    %dma_start3A_17 = tpu.memref_slice %arg5[%dma_start3A_12, %dma_start3A_16] : memref<200x128xi32, #tpu.memory_space<vmem>> -> memref<1x128xi32, #tpu.memory_space<vmem>>
    %dma_start3A_18 = tpu.memref_squeeze %dma_start3A_17 : memref<1x128xi32, #tpu.memory_space<vmem>> -> memref<128xi32, #tpu.memory_space<vmem>>
    %dma_start3A_19 = arith.constant 0 : i32
    %dma_start3A_20 = arith.constant 0 : i32
    %dma_start3A_21 = tpu.memref_slice %arg3[%dma_start3A_19, %dma_start3A_20] : memref<1000000x64xf32, #tpu.memory_space<hbm>> -> memref<1000000x64xf32, #tpu.memory_space<hbm>>
    tpu.enqueue_indirect_dma source(%dma_start3A_21 : memref<1000000x64xf32, #tpu.memory_space<hbm>>) target(%dma_start3A_15 : memref<128x64xf32, #tpu.memory_space<vmem>>) offsets(%dma_start3A_18 : memref<128xi32, #tpu.memory_space<vmem>>) semaphore(%arg11 : memref<!tpu.dma_semaphore, #tpu.memory_space<semaphore_mem>>)
    %dma_start3A_22 = arith.constant 2 : i32
    %dma_start3A_23 = arith.constant 0 : i32
    %dma_start3A_24 = arith.constant 0 : i32
    %dma_start3A_25 = tpu.memref_slice %arg7[%dma_start3A_23, %dma_start3A_24] : memref<256x64xf32, #tpu.memory_space<vmem>> -> memref<128x64xf32, #tpu.memory_space<vmem>>
    %dma_start3A_26 = arith.constant 0 : i32
    %dma_start3A_27 = tpu.memref_slice %arg5[%dma_start3A_22, %dma_start3A_26] : memref<200x128xi32, #tpu.memory_space<vmem>> -> memref<1x128xi32, #tpu.memory_space<vmem>>
    %dma_start3A_28 = tpu.memref_squeeze %dma_start3A_27 : memref<1x128xi32, #tpu.memory_space<vmem>> -> memref<128xi32, #tpu.memory_space<vmem>>
    %dma_start3A_29 = arith.constant 0 : i32
    %dma_start3A_30 = arith.constant 0 : i32
    %dma_start3A_31 = tpu.memref_slice %arg3[%dma_start3A_29, %dma_start3A_30] : memref<1000000x64xf32, #tpu.memory_space<hbm>> -> memref<1000000x64xf32, #tpu.memory_space<hbm>>
    tpu.enqueue_indirect_dma source(%dma_start3A_31 : memref<1000000x64xf32, #tpu.memory_space<hbm>>) target(%dma_start3A_25 : memref<128x64xf32, #tpu.memory_space<vmem>>) offsets(%dma_start3A_28 : memref<128xi32, #tpu.memory_space<vmem>>) semaphore(%arg12 : memref<!tpu.dma_semaphore, #tpu.memory_space<semaphore_mem>>)
    %dma_start3A_32 = arith.constant 3 : i32
    %dma_start3A_33 = arith.constant 128 : i32
    %dma_start3A_34 = arith.constant 0 : i32
    %dma_start3A_35 = tpu.memref_slice %arg7[%dma_start3A_33, %dma_start3A_34] : memref<256x64xf32, #tpu.memory_space<vmem>> -> memref<128x64xf32, #tpu.memory_space<vmem>>
    %dma_start3A_36 = arith.constant 0 : i32
    %dma_start3A_37 = tpu.memref_slice %arg5[%dma_start3A_32, %dma_start3A_36] : memref<200x128xi32, #tpu.memory_space<vmem>> -> memref<1x128xi32, #tpu.memory_space<vmem>>
    %dma_start3A_38 = tpu.memref_squeeze %dma_start3A_37 : memref<1x128xi32, #tpu.memory_space<vmem>> -> memref<128xi32, #tpu.memory_space<vmem>>
    %dma_start3A_39 = arith.constant 0 : i32
    %dma_start3A_40 = arith.constant 0 : i32
    %dma_start3A_41 = tpu.memref_slice %arg3[%dma_start3A_39, %dma_start3A_40] : memref<1000000x64xf32, #tpu.memory_space<hbm>> -> memref<1000000x64xf32, #tpu.memory_space<hbm>>
    tpu.enqueue_indirect_dma source(%dma_start3A_41 : memref<1000000x64xf32, #tpu.memory_space<hbm>>) target(%dma_start3A_35 : memref<128x64xf32, #tpu.memory_space<vmem>>) offsets(%dma_start3A_38 : memref<128xi32, #tpu.memory_space<vmem>>) semaphore(%arg12 : memref<!tpu.dma_semaphore, #tpu.memory_space<semaphore_mem>>)
    %dma_start3A_42 = arith.constant 4 : i32
    %dma_start3A_43 = arith.constant 0 : i32
    %dma_start3A_44 = arith.constant 0 : i32
    %dma_start3A_45 = tpu.memref_slice %arg8[%dma_start3A_43, %dma_start3A_44] : memref<256x64xf32, #tpu.memory_space<vmem>> -> memref<128x64xf32, #tpu.memory_space<vmem>>
    %dma_start3A_46 = arith.constant 0 : i32
    %dma_start3A_47 = tpu.memref_slice %arg5[%dma_start3A_42, %dma_start3A_46] : memref<200x128xi32, #tpu.memory_space<vmem>> -> memref<1x128xi32, #tpu.memory_space<vmem>>
    %dma_start3A_48 = tpu.memref_squeeze %dma_start3A_47 : memref<1x128xi32, #tpu.memory_space<vmem>> -> memref<128xi32, #tpu.memory_space<vmem>>
    %dma_start3A_49 = arith.constant 0 : i32
    %dma_start3A_50 = arith.constant 0 : i32
    %dma_start3A_51 = tpu.memref_slice %arg3[%dma_start3A_49, %dma_start3A_50] : memref<1000000x64xf32, #tpu.memory_space<hbm>> -> memref<1000000x64xf32, #tpu.memory_space<hbm>>
    tpu.enqueue_indirect_dma source(%dma_start3A_51 : memref<1000000x64xf32, #tpu.memory_space<hbm>>) target(%dma_start3A_45 : memref<128x64xf32, #tpu.memory_space<vmem>>) offsets(%dma_start3A_48 : memref<128xi32, #tpu.memory_space<vmem>>) semaphore(%arg13 : memref<!tpu.dma_semaphore, #tpu.memory_space<semaphore_mem>>)
    %dma_start3A_52 = arith.constant 5 : i32
    %dma_start3A_53 = arith.constant 128 : i32
    %dma_start3A_54 = arith.constant 0 : i32
    %dma_start3A_55 = tpu.memref_slice %arg8[%dma_start3A_53, %dma_start3A_54] : memref<256x64xf32, #tpu.memory_space<vmem>> -> memref<128x64xf32, #tpu.memory_space<vmem>>
    %dma_start3A_56 = arith.constant 0 : i32
    %dma_start3A_57 = tpu.memref_slice %arg5[%dma_start3A_52, %dma_start3A_56] : memref<200x128xi32, #tpu.memory_space<vmem>> -> memref<1x128xi32, #tpu.memory_space<vmem>>
    %dma_start3A_58 = tpu.memref_squeeze %dma_start3A_57 : memref<1x128xi32, #tpu.memory_space<vmem>> -> memref<128xi32, #tpu.memory_space<vmem>>
    %dma_start3A_59 = arith.constant 0 : i32
    %dma_start3A_60 = arith.constant 0 : i32
    %dma_start3A_61 = tpu.memref_slice %arg3[%dma_start3A_59, %dma_start3A_60] : memref<1000000x64xf32, #tpu.memory_space<hbm>> -> memref<1000000x64xf32, #tpu.memory_space<hbm>>
    tpu.enqueue_indirect_dma source(%dma_start3A_61 : memref<1000000x64xf32, #tpu.memory_space<hbm>>) target(%dma_start3A_55 : memref<128x64xf32, #tpu.memory_space<vmem>>) offsets(%dma_start3A_58 : memref<128xi32, #tpu.memory_space<vmem>>) semaphore(%arg13 : memref<!tpu.dma_semaphore, #tpu.memory_space<semaphore_mem>>)
    %scan3A = arith.constant 0 : i32
    %scan3A_62 = arith.constant 0 : i32
    %scan3A_63 = arith.constant 20 : i32
    %scan3A_64 = arith.addi %scan3A_62, %scan3A_63 : i32
    %scan3A_65 = arith.constant 1 : i32
    scf.for %scan3A_96 = %scan3A_62 to %scan3A_64 step %scan3A_65  : i32 {
      %mul3A_97 = arith.constant 5 : i32
      %mul3A_98 = arith.muli %scan3A_96, %mul3A_97 : i32
      %add3A_99 = arith.constant 0 : i32
      %add3A_100 = arith.addi %mul3A_98, %add3A_99 : i32
      %add3A_101 = arith.constant 3 : i32
      %add3A_102 = arith.addi %add3A_100, %add3A_101 : i32
      %lt3A = arith.constant 100 : i32
      %lt3A_103 = arith.cmpi slt, %add3A_102, %lt3A : i32
      %convert_element_type3A = arith.extui %lt3A_103 : i1 to i32
      %cond3A = arith.constant 0 : i32
      %cond3A_104 = arith.cmpi ne, %convert_element_type3A, %cond3A : i32
      scf.if %cond3A_104 {
        %ge3A = arith.constant 5 : i32
        %ge3A_306 = arith.cmpi sge, %add3A_102, %ge3A : i32
        %convert_element_type3A_307 = arith.extui %ge3A_306 : i1 to i32
        %cond3A_308 = arith.constant 0 : i32
        %cond3A_309 = arith.cmpi ne, %convert_element_type3A_307, %cond3A_308 : i32
        scf.if %cond3A_309 {
          %sub3A = arith.constant 5 : i32
          %sub3A_336 = arith.subi %add3A_102, %sub3A : i32
          %mul3A_337 = arith.constant 256 : i32
          %mul3A_338 = arith.muli %sub3A_336, %mul3A_337 : i32
          %add3A_339 = arith.addi %mul3A_2, %mul3A_338 : i32
          %dma_wait3A_340 = arith.constant 0 : i32
          %dma_wait3A_341 = tpu.memref_slice %arg4[%add3A_339, %dma_wait3A_340] : memref<819200x64xf32, #tpu.memory_space<hbm>> -> memref<256x64xf32, #tpu.memory_space<hbm>>
          %dma_wait3A_342 = arith.constant 0 : i32
          %dma_wait3A_343 = tpu.memref_slice %arg4[%add3A_339, %dma_wait3A_342] : memref<819200x64xf32, #tpu.memory_space<hbm>> -> memref<256x64xf32, #tpu.memory_space<hbm>>
          tpu.wait_dma2 semaphore(%arg19 : memref<!tpu.dma_semaphore, #tpu.memory_space<semaphore_mem>>) src(%arg9 : memref<256x64xf32, #tpu.memory_space<vmem>>) dst(%dma_wait3A_343 : memref<256x64xf32, #tpu.memory_space<hbm>>)
        } else {
        }
        %mul3A_310 = arith.constant 2 : i32
        %mul3A_311 = arith.muli %add3A_102, %mul3A_310 : i32
        %add3A_312 = arith.constant 0 : i32
        %add3A_313 = arith.addi %mul3A_311, %add3A_312 : i32
        %mul3A_314 = arith.constant 2 : i32
        %mul3A_315 = arith.muli %add3A_102, %mul3A_314 : i32
        %add3A_316 = arith.constant 1 : i32
        %add3A_317 = arith.addi %mul3A_315, %add3A_316 : i32
        %dma_start3A_318 = arith.constant 0 : i32
        %dma_start3A_319 = arith.constant 0 : i32
        %dma_start3A_320 = tpu.memref_slice %arg9[%dma_start3A_318, %dma_start3A_319] : memref<256x64xf32, #tpu.memory_space<vmem>> -> memref<128x64xf32, #tpu.memory_space<vmem>>
        %dma_start3A_321 = arith.constant 0 : i32
        %dma_start3A_322 = tpu.memref_slice %arg5[%add3A_313, %dma_start3A_321] : memref<200x128xi32, #tpu.memory_space<vmem>> -> memref<1x128xi32, #tpu.memory_space<vmem>>
        %dma_start3A_323 = tpu.memref_squeeze %dma_start3A_322 : memref<1x128xi32, #tpu.memory_space<vmem>> -> memref<128xi32, #tpu.memory_space<vmem>>
        %dma_start3A_324 = arith.constant 0 : i32
        %dma_start3A_325 = arith.constant 0 : i32
        %dma_start3A_326 = tpu.memref_slice %arg3[%dma_start3A_324, %dma_start3A_325] : memref<1000000x64xf32, #tpu.memory_space<hbm>> -> memref<1000000x64xf32, #tpu.memory_space<hbm>>
        tpu.enqueue_indirect_dma source(%dma_start3A_326 : memref<1000000x64xf32, #tpu.memory_space<hbm>>) target(%dma_start3A_320 : memref<128x64xf32, #tpu.memory_space<vmem>>) offsets(%dma_start3A_323 : memref<128xi32, #tpu.memory_space<vmem>>) semaphore(%arg14 : memref<!tpu.dma_semaphore, #tpu.memory_space<semaphore_mem>>)
        %dma_start3A_327 = arith.constant 128 : i32
        %dma_start3A_328 = arith.constant 0 : i32
        %dma_start3A_329 = tpu.memref_slice %arg9[%dma_start3A_327, %dma_start3A_328] : memref<256x64xf32, #tpu.memory_space<vmem>> -> memref<128x64xf32, #tpu.memory_space<vmem>>
        %dma_start3A_330 = arith.constant 0 : i32
        %dma_start3A_331 = tpu.memref_slice %arg5[%add3A_317, %dma_start3A_330] : memref<200x128xi32, #tpu.memory_space<vmem>> -> memref<1x128xi32, #tpu.memory_space<vmem>>
        %dma_start3A_332 = tpu.memref_squeeze %dma_start3A_331 : memref<1x128xi32, #tpu.memory_space<vmem>> -> memref<128xi32, #tpu.memory_space<vmem>>
        %dma_start3A_333 = arith.constant 0 : i32
        %dma_start3A_334 = arith.constant 0 : i32
        %dma_start3A_335 = tpu.memref_slice %arg3[%dma_start3A_333, %dma_start3A_334] : memref<1000000x64xf32, #tpu.memory_space<hbm>> -> memref<1000000x64xf32, #tpu.memory_space<hbm>>
        tpu.enqueue_indirect_dma source(%dma_start3A_335 : memref<1000000x64xf32, #tpu.memory_space<hbm>>) target(%dma_start3A_329 : memref<128x64xf32, #tpu.memory_space<vmem>>) offsets(%dma_start3A_332 : memref<128xi32, #tpu.memory_space<vmem>>) semaphore(%arg14 : memref<!tpu.dma_semaphore, #tpu.memory_space<semaphore_mem>>)
      } else {
      }
      %mul3A_105 = arith.constant 2 : i32
      %mul3A_106 = arith.muli %add3A_100, %mul3A_105 : i32
      %add3A_107 = arith.constant 0 : i32
      %add3A_108 = arith.addi %mul3A_106, %add3A_107 : i32
      %mul3A_109 = arith.constant 2 : i32
      %mul3A_110 = arith.muli %add3A_100, %mul3A_109 : i32
      %add3A_111 = arith.constant 1 : i32
      %add3A_112 = arith.addi %mul3A_110, %add3A_111 : i32
      %dma_wait3A_113 = arith.constant 0 : i32
      %dma_wait3A_114 = arith.constant 0 : i32
      %dma_wait3A_115 = tpu.memref_slice %arg6[%dma_wait3A_113, %dma_wait3A_114] : memref<256x64xf32, #tpu.memory_space<vmem>> -> memref<128x64xf32, #tpu.memory_space<vmem>>
      %dma_wait3A_116 = arith.constant 0 : i32
      %dma_wait3A_117 = tpu.memref_slice %arg5[%add3A_108, %dma_wait3A_116] : memref<200x128xi32, #tpu.memory_space<vmem>> -> memref<1x128xi32, #tpu.memory_space<vmem>>
      %dma_wait3A_118 = tpu.memref_squeeze %dma_wait3A_117 : memref<1x128xi32, #tpu.memory_space<vmem>> -> memref<128xi32, #tpu.memory_space<vmem>>
      %dma_wait3A_119 = arith.constant 0 : i32
      %dma_wait3A_120 = arith.constant 0 : i32
      %dma_wait3A_121 = tpu.memref_slice %arg3[%dma_wait3A_119, %dma_wait3A_120] : memref<1000000x64xf32, #tpu.memory_space<hbm>> -> memref<1000000x64xf32, #tpu.memory_space<hbm>>
      tpu.wait_indirect_dma semaphore(%arg11 : memref<!tpu.dma_semaphore, #tpu.memory_space<semaphore_mem>>) src(%dma_wait3A_121 : memref<1000000x64xf32, #tpu.memory_space<hbm>>) dst(%dma_wait3A_115 : memref<128x64xf32, #tpu.memory_space<vmem>>)
      %dma_wait3A_122 = arith.constant 128 : i32
      %dma_wait3A_123 = arith.constant 0 : i32
      %dma_wait3A_124 = tpu.memref_slice %arg6[%dma_wait3A_122, %dma_wait3A_123] : memref<256x64xf32, #tpu.memory_space<vmem>> -> memref<128x64xf32, #tpu.memory_space<vmem>>
      %dma_wait3A_125 = arith.constant 0 : i32
      %dma_wait3A_126 = tpu.memref_slice %arg5[%add3A_112, %dma_wait3A_125] : memref<200x128xi32, #tpu.memory_space<vmem>> -> memref<1x128xi32, #tpu.memory_space<vmem>>
      %dma_wait3A_127 = tpu.memref_squeeze %dma_wait3A_126 : memref<1x128xi32, #tpu.memory_space<vmem>> -> memref<128xi32, #tpu.memory_space<vmem>>
      %dma_wait3A_128 = arith.constant 0 : i32
      %dma_wait3A_129 = arith.constant 0 : i32
      %dma_wait3A_130 = tpu.memref_slice %arg3[%dma_wait3A_128, %dma_wait3A_129] : memref<1000000x64xf32, #tpu.memory_space<hbm>> -> memref<1000000x64xf32, #tpu.memory_space<hbm>>
      tpu.wait_indirect_dma semaphore(%arg11 : memref<!tpu.dma_semaphore, #tpu.memory_space<semaphore_mem>>) src(%dma_wait3A_130 : memref<1000000x64xf32, #tpu.memory_space<hbm>>) dst(%dma_wait3A_124 : memref<128x64xf32, #tpu.memory_space<vmem>>)
      %mul3A_131 = arith.constant 256 : i32
      %mul3A_132 = arith.muli %add3A_100, %mul3A_131 : i32
      %add3A_133 = arith.addi %mul3A_2, %mul3A_132 : i32
      %dma_start3A_134 = arith.constant 0 : i32
      %dma_start3A_135 = tpu.memref_slice %arg4[%add3A_133, %dma_start3A_134] : memref<819200x64xf32, #tpu.memory_space<hbm>> -> memref<256x64xf32, #tpu.memory_space<hbm>>
      %dma_start3A_136 = arith.constant 0 : i32
      %dma_start3A_137 = tpu.memref_slice %arg4[%add3A_133, %dma_start3A_136] : memref<819200x64xf32, #tpu.memory_space<hbm>> -> memref<256x64xf32, #tpu.memory_space<hbm>>
      tpu.enqueue_dma source(%arg6 : memref<256x64xf32, #tpu.memory_space<vmem>>) target(%dma_start3A_137 : memref<256x64xf32, #tpu.memory_space<hbm>>) target_semaphore(%arg16 : memref<!tpu.dma_semaphore, #tpu.memory_space<semaphore_mem>>)
      %add3A_138 = arith.constant 1 : i32
      %add3A_139 = arith.addi %mul3A_98, %add3A_138 : i32
      %add3A_140 = arith.constant 3 : i32
      %add3A_141 = arith.addi %add3A_139, %add3A_140 : i32
      %lt3A_142 = arith.constant 100 : i32
      %lt3A_143 = arith.cmpi slt, %add3A_141, %lt3A_142 : i32
      %convert_element_type3A_144 = arith.extui %lt3A_143 : i1 to i32
      %cond3A_145 = arith.constant 0 : i32
      %cond3A_146 = arith.cmpi ne, %convert_element_type3A_144, %cond3A_145 : i32
      scf.if %cond3A_146 {
        %ge3A = arith.constant 5 : i32
        %ge3A_306 = arith.cmpi sge, %add3A_141, %ge3A : i32
        %convert_element_type3A_307 = arith.extui %ge3A_306 : i1 to i32
        %cond3A_308 = arith.constant 0 : i32
        %cond3A_309 = arith.cmpi ne, %convert_element_type3A_307, %cond3A_308 : i32
        scf.if %cond3A_309 {
          %sub3A = arith.constant 5 : i32
          %sub3A_336 = arith.subi %add3A_141, %sub3A : i32
          %mul3A_337 = arith.constant 256 : i32
          %mul3A_338 = arith.muli %sub3A_336, %mul3A_337 : i32
          %add3A_339 = arith.addi %mul3A_2, %mul3A_338 : i32
          %dma_wait3A_340 = arith.constant 0 : i32
          %dma_wait3A_341 = tpu.memref_slice %arg4[%add3A_339, %dma_wait3A_340] : memref<819200x64xf32, #tpu.memory_space<hbm>> -> memref<256x64xf32, #tpu.memory_space<hbm>>
          %dma_wait3A_342 = arith.constant 0 : i32
          %dma_wait3A_343 = tpu.memref_slice %arg4[%add3A_339, %dma_wait3A_342] : memref<819200x64xf32, #tpu.memory_space<hbm>> -> memref<256x64xf32, #tpu.memory_space<hbm>>
          tpu.wait_dma2 semaphore(%arg20 : memref<!tpu.dma_semaphore, #tpu.memory_space<semaphore_mem>>) src(%arg10 : memref<256x64xf32, #tpu.memory_space<vmem>>) dst(%dma_wait3A_343 : memref<256x64xf32, #tpu.memory_space<hbm>>)
        } else {
        }
        %mul3A_310 = arith.constant 2 : i32
        %mul3A_311 = arith.muli %add3A_141, %mul3A_310 : i32
        %add3A_312 = arith.constant 0 : i32
        %add3A_313 = arith.addi %mul3A_311, %add3A_312 : i32
        %mul3A_314 = arith.constant 2 : i32
        %mul3A_315 = arith.muli %add3A_141, %mul3A_314 : i32
        %add3A_316 = arith.constant 1 : i32
        %add3A_317 = arith.addi %mul3A_315, %add3A_316 : i32
        %dma_start3A_318 = arith.constant 0 : i32
        %dma_start3A_319 = arith.constant 0 : i32
        %dma_start3A_320 = tpu.memref_slice %arg10[%dma_start3A_318, %dma_start3A_319] : memref<256x64xf32, #tpu.memory_space<vmem>> -> memref<128x64xf32, #tpu.memory_space<vmem>>
        %dma_start3A_321 = arith.constant 0 : i32
        %dma_start3A_322 = tpu.memref_slice %arg5[%add3A_313, %dma_start3A_321] : memref<200x128xi32, #tpu.memory_space<vmem>> -> memref<1x128xi32, #tpu.memory_space<vmem>>
        %dma_start3A_323 = tpu.memref_squeeze %dma_start3A_322 : memref<1x128xi32, #tpu.memory_space<vmem>> -> memref<128xi32, #tpu.memory_space<vmem>>
        %dma_start3A_324 = arith.constant 0 : i32
        %dma_start3A_325 = arith.constant 0 : i32
        %dma_start3A_326 = tpu.memref_slice %arg3[%dma_start3A_324, %dma_start3A_325] : memref<1000000x64xf32, #tpu.memory_space<hbm>> -> memref<1000000x64xf32, #tpu.memory_space<hbm>>
        tpu.enqueue_indirect_dma source(%dma_start3A_326 : memref<1000000x64xf32, #tpu.memory_space<hbm>>) target(%dma_start3A_320 : memref<128x64xf32, #tpu.memory_space<vmem>>) offsets(%dma_start3A_323 : memref<128xi32, #tpu.memory_space<vmem>>) semaphore(%arg15 : memref<!tpu.dma_semaphore, #tpu.memory_space<semaphore_mem>>)
        %dma_start3A_327 = arith.constant 128 : i32
        %dma_start3A_328 = arith.constant 0 : i32
        %dma_start3A_329 = tpu.memref_slice %arg10[%dma_start3A_327, %dma_start3A_328] : memref<256x64xf32, #tpu.memory_space<vmem>> -> memref<128x64xf32, #tpu.memory_space<vmem>>
        %dma_start3A_330 = arith.constant 0 : i32
        %dma_start3A_331 = tpu.memref_slice %arg5[%add3A_317, %dma_start3A_330] : memref<200x128xi32, #tpu.memory_space<vmem>> -> memref<1x128xi32, #tpu.memory_space<vmem>>
        %dma_start3A_332 = tpu.memref_squeeze %dma_start3A_331 : memref<1x128xi32, #tpu.memory_space<vmem>> -> memref<128xi32, #tpu.memory_space<vmem>>
        %dma_start3A_333 = arith.constant 0 : i32
        %dma_start3A_334 = arith.constant 0 : i32
        %dma_start3A_335 = tpu.memref_slice %arg3[%dma_start3A_333, %dma_start3A_334] : memref<1000000x64xf32, #tpu.memory_space<hbm>> -> memref<1000000x64xf32, #tpu.memory_space<hbm>>
        tpu.enqueue_indirect_dma source(%dma_start3A_335 : memref<1000000x64xf32, #tpu.memory_space<hbm>>) target(%dma_start3A_329 : memref<128x64xf32, #tpu.memory_space<vmem>>) offsets(%dma_start3A_332 : memref<128xi32, #tpu.memory_space<vmem>>) semaphore(%arg15 : memref<!tpu.dma_semaphore, #tpu.memory_space<semaphore_mem>>)
      } else {
      }
      %mul3A_147 = arith.constant 2 : i32
      %mul3A_148 = arith.muli %add3A_139, %mul3A_147 : i32
      %add3A_149 = arith.constant 0 : i32
      %add3A_150 = arith.addi %mul3A_148, %add3A_149 : i32
      %mul3A_151 = arith.constant 2 : i32
      %mul3A_152 = arith.muli %add3A_139, %mul3A_151 : i32
      %add3A_153 = arith.constant 1 : i32
      %add3A_154 = arith.addi %mul3A_152, %add3A_153 : i32
      %dma_wait3A_155 = arith.constant 0 : i32
      %dma_wait3A_156 = arith.constant 0 : i32
      %dma_wait3A_157 = tpu.memref_slice %arg7[%dma_wait3A_155, %dma_wait3A_156] : memref<256x64xf32, #tpu.memory_space<vmem>> -> memref<128x64xf32, #tpu.memory_space<vmem>>
      %dma_wait3A_158 = arith.constant 0 : i32
      %dma_wait3A_159 = tpu.memref_slice %arg5[%add3A_150, %dma_wait3A_158] : memref<200x128xi32, #tpu.memory_space<vmem>> -> memref<1x128xi32, #tpu.memory_space<vmem>>
      %dma_wait3A_160 = tpu.memref_squeeze %dma_wait3A_159 : memref<1x128xi32, #tpu.memory_space<vmem>> -> memref<128xi32, #tpu.memory_space<vmem>>
      %dma_wait3A_161 = arith.constant 0 : i32
      %dma_wait3A_162 = arith.constant 0 : i32
      %dma_wait3A_163 = tpu.memref_slice %arg3[%dma_wait3A_161, %dma_wait3A_162] : memref<1000000x64xf32, #tpu.memory_space<hbm>> -> memref<1000000x64xf32, #tpu.memory_space<hbm>>
      tpu.wait_indirect_dma semaphore(%arg12 : memref<!tpu.dma_semaphore, #tpu.memory_space<semaphore_mem>>) src(%dma_wait3A_163 : memref<1000000x64xf32, #tpu.memory_space<hbm>>) dst(%dma_wait3A_157 : memref<128x64xf32, #tpu.memory_space<vmem>>)
      %dma_wait3A_164 = arith.constant 128 : i32
      %dma_wait3A_165 = arith.constant 0 : i32
      %dma_wait3A_166 = tpu.memref_slice %arg7[%dma_wait3A_164, %dma_wait3A_165] : memref<256x64xf32, #tpu.memory_space<vmem>> -> memref<128x64xf32, #tpu.memory_space<vmem>>
      %dma_wait3A_167 = arith.constant 0 : i32
      %dma_wait3A_168 = tpu.memref_slice %arg5[%add3A_154, %dma_wait3A_167] : memref<200x128xi32, #tpu.memory_space<vmem>> -> memref<1x128xi32, #tpu.memory_space<vmem>>
      %dma_wait3A_169 = tpu.memref_squeeze %dma_wait3A_168 : memref<1x128xi32, #tpu.memory_space<vmem>> -> memref<128xi32, #tpu.memory_space<vmem>>
      %dma_wait3A_170 = arith.constant 0 : i32
      %dma_wait3A_171 = arith.constant 0 : i32
      %dma_wait3A_172 = tpu.memref_slice %arg3[%dma_wait3A_170, %dma_wait3A_171] : memref<1000000x64xf32, #tpu.memory_space<hbm>> -> memref<1000000x64xf32, #tpu.memory_space<hbm>>
      tpu.wait_indirect_dma semaphore(%arg12 : memref<!tpu.dma_semaphore, #tpu.memory_space<semaphore_mem>>) src(%dma_wait3A_172 : memref<1000000x64xf32, #tpu.memory_space<hbm>>) dst(%dma_wait3A_166 : memref<128x64xf32, #tpu.memory_space<vmem>>)
      %mul3A_173 = arith.constant 256 : i32
      %mul3A_174 = arith.muli %add3A_139, %mul3A_173 : i32
      %add3A_175 = arith.addi %mul3A_2, %mul3A_174 : i32
      %dma_start3A_176 = arith.constant 0 : i32
      %dma_start3A_177 = tpu.memref_slice %arg4[%add3A_175, %dma_start3A_176] : memref<819200x64xf32, #tpu.memory_space<hbm>> -> memref<256x64xf32, #tpu.memory_space<hbm>>
      %dma_start3A_178 = arith.constant 0 : i32
      %dma_start3A_179 = tpu.memref_slice %arg4[%add3A_175, %dma_start3A_178] : memref<819200x64xf32, #tpu.memory_space<hbm>> -> memref<256x64xf32, #tpu.memory_space<hbm>>
      tpu.enqueue_dma source(%arg7 : memref<256x64xf32, #tpu.memory_space<vmem>>) target(%dma_start3A_179 : memref<256x64xf32, #tpu.memory_space<hbm>>) target_semaphore(%arg17 : memref<!tpu.dma_semaphore, #tpu.memory_space<semaphore_mem>>)
      %add3A_180 = arith.constant 2 : i32
      %add3A_181 = arith.addi %mul3A_98, %add3A_180 : i32
      %add3A_182 = arith.constant 3 : i32
      %add3A_183 = arith.addi %add3A_181, %add3A_182 : i32
      %lt3A_184 = arith.constant 100 : i32
      %lt3A_185 = arith.cmpi slt, %add3A_183, %lt3A_184 : i32
      %convert_element_type3A_186 = arith.extui %lt3A_185 : i1 to i32
      %cond3A_187 = arith.constant 0 : i32
      %cond3A_188 = arith.cmpi ne, %convert_element_type3A_186, %cond3A_187 : i32
      scf.if %cond3A_188 {
        %ge3A = arith.constant 5 : i32
        %ge3A_306 = arith.cmpi sge, %add3A_183, %ge3A : i32
        %convert_element_type3A_307 = arith.extui %ge3A_306 : i1 to i32
        %cond3A_308 = arith.constant 0 : i32
        %cond3A_309 = arith.cmpi ne, %convert_element_type3A_307, %cond3A_308 : i32
        scf.if %cond3A_309 {
          %sub3A = arith.constant 5 : i32
          %sub3A_336 = arith.subi %add3A_183, %sub3A : i32
          %mul3A_337 = arith.constant 256 : i32
          %mul3A_338 = arith.muli %sub3A_336, %mul3A_337 : i32
          %add3A_339 = arith.addi %mul3A_2, %mul3A_338 : i32
          %dma_wait3A_340 = arith.constant 0 : i32
          %dma_wait3A_341 = tpu.memref_slice %arg4[%add3A_339, %dma_wait3A_340] : memref<819200x64xf32, #tpu.memory_space<hbm>> -> memref<256x64xf32, #tpu.memory_space<hbm>>
          %dma_wait3A_342 = arith.constant 0 : i32
          %dma_wait3A_343 = tpu.memref_slice %arg4[%add3A_339, %dma_wait3A_342] : memref<819200x64xf32, #tpu.memory_space<hbm>> -> memref<256x64xf32, #tpu.memory_space<hbm>>
          tpu.wait_dma2 semaphore(%arg16 : memref<!tpu.dma_semaphore, #tpu.memory_space<semaphore_mem>>) src(%arg6 : memref<256x64xf32, #tpu.memory_space<vmem>>) dst(%dma_wait3A_343 : memref<256x64xf32, #tpu.memory_space<hbm>>)
        } else {
        }
        %mul3A_310 = arith.constant 2 : i32
        %mul3A_311 = arith.muli %add3A_183, %mul3A_310 : i32
        %add3A_312 = arith.constant 0 : i32
        %add3A_313 = arith.addi %mul3A_311, %add3A_312 : i32
        %mul3A_314 = arith.constant 2 : i32
        %mul3A_315 = arith.muli %add3A_183, %mul3A_314 : i32
        %add3A_316 = arith.constant 1 : i32
        %add3A_317 = arith.addi %mul3A_315, %add3A_316 : i32
        %dma_start3A_318 = arith.constant 0 : i32
        %dma_start3A_319 = arith.constant 0 : i32
        %dma_start3A_320 = tpu.memref_slice %arg6[%dma_start3A_318, %dma_start3A_319] : memref<256x64xf32, #tpu.memory_space<vmem>> -> memref<128x64xf32, #tpu.memory_space<vmem>>
        %dma_start3A_321 = arith.constant 0 : i32
        %dma_start3A_322 = tpu.memref_slice %arg5[%add3A_313, %dma_start3A_321] : memref<200x128xi32, #tpu.memory_space<vmem>> -> memref<1x128xi32, #tpu.memory_space<vmem>>
        %dma_start3A_323 = tpu.memref_squeeze %dma_start3A_322 : memref<1x128xi32, #tpu.memory_space<vmem>> -> memref<128xi32, #tpu.memory_space<vmem>>
        %dma_start3A_324 = arith.constant 0 : i32
        %dma_start3A_325 = arith.constant 0 : i32
        %dma_start3A_326 = tpu.memref_slice %arg3[%dma_start3A_324, %dma_start3A_325] : memref<1000000x64xf32, #tpu.memory_space<hbm>> -> memref<1000000x64xf32, #tpu.memory_space<hbm>>
        tpu.enqueue_indirect_dma source(%dma_start3A_326 : memref<1000000x64xf32, #tpu.memory_space<hbm>>) target(%dma_start3A_320 : memref<128x64xf32, #tpu.memory_space<vmem>>) offsets(%dma_start3A_323 : memref<128xi32, #tpu.memory_space<vmem>>) semaphore(%arg11 : memref<!tpu.dma_semaphore, #tpu.memory_space<semaphore_mem>>)
        %dma_start3A_327 = arith.constant 128 : i32
        %dma_start3A_328 = arith.constant 0 : i32
        %dma_start3A_329 = tpu.memref_slice %arg6[%dma_start3A_327, %dma_start3A_328] : memref<256x64xf32, #tpu.memory_space<vmem>> -> memref<128x64xf32, #tpu.memory_space<vmem>>
        %dma_start3A_330 = arith.constant 0 : i32
        %dma_start3A_331 = tpu.memref_slice %arg5[%add3A_317, %dma_start3A_330] : memref<200x128xi32, #tpu.memory_space<vmem>> -> memref<1x128xi32, #tpu.memory_space<vmem>>
        %dma_start3A_332 = tpu.memref_squeeze %dma_start3A_331 : memref<1x128xi32, #tpu.memory_space<vmem>> -> memref<128xi32, #tpu.memory_space<vmem>>
        %dma_start3A_333 = arith.constant 0 : i32
        %dma_start3A_334 = arith.constant 0 : i32
        %dma_start3A_335 = tpu.memref_slice %arg3[%dma_start3A_333, %dma_start3A_334] : memref<1000000x64xf32, #tpu.memory_space<hbm>> -> memref<1000000x64xf32, #tpu.memory_space<hbm>>
        tpu.enqueue_indirect_dma source(%dma_start3A_335 : memref<1000000x64xf32, #tpu.memory_space<hbm>>) target(%dma_start3A_329 : memref<128x64xf32, #tpu.memory_space<vmem>>) offsets(%dma_start3A_332 : memref<128xi32, #tpu.memory_space<vmem>>) semaphore(%arg11 : memref<!tpu.dma_semaphore, #tpu.memory_space<semaphore_mem>>)
      } else {
      }
      %mul3A_189 = arith.constant 2 : i32
      %mul3A_190 = arith.muli %add3A_181, %mul3A_189 : i32
      %add3A_191 = arith.constant 0 : i32
      %add3A_192 = arith.addi %mul3A_190, %add3A_191 : i32
      %mul3A_193 = arith.constant 2 : i32
      %mul3A_194 = arith.muli %add3A_181, %mul3A_193 : i32
      %add3A_195 = arith.constant 1 : i32
      %add3A_196 = arith.addi %mul3A_194, %add3A_195 : i32
      %dma_wait3A_197 = arith.constant 0 : i32
      %dma_wait3A_198 = arith.constant 0 : i32
      %dma_wait3A_199 = tpu.memref_slice %arg8[%dma_wait3A_197, %dma_wait3A_198] : memref<256x64xf32, #tpu.memory_space<vmem>> -> memref<128x64xf32, #tpu.memory_space<vmem>>
      %dma_wait3A_200 = arith.constant 0 : i32
      %dma_wait3A_201 = tpu.memref_slice %arg5[%add3A_192, %dma_wait3A_200] : memref<200x128xi32, #tpu.memory_space<vmem>> -> memref<1x128xi32, #tpu.memory_space<vmem>>
      %dma_wait3A_202 = tpu.memref_squeeze %dma_wait3A_201 : memref<1x128xi32, #tpu.memory_space<vmem>> -> memref<128xi32, #tpu.memory_space<vmem>>
      %dma_wait3A_203 = arith.constant 0 : i32
      %dma_wait3A_204 = arith.constant 0 : i32
      %dma_wait3A_205 = tpu.memref_slice %arg3[%dma_wait3A_203, %dma_wait3A_204] : memref<1000000x64xf32, #tpu.memory_space<hbm>> -> memref<1000000x64xf32, #tpu.memory_space<hbm>>
      tpu.wait_indirect_dma semaphore(%arg13 : memref<!tpu.dma_semaphore, #tpu.memory_space<semaphore_mem>>) src(%dma_wait3A_205 : memref<1000000x64xf32, #tpu.memory_space<hbm>>) dst(%dma_wait3A_199 : memref<128x64xf32, #tpu.memory_space<vmem>>)
      %dma_wait3A_206 = arith.constant 128 : i32
      %dma_wait3A_207 = arith.constant 0 : i32
      %dma_wait3A_208 = tpu.memref_slice %arg8[%dma_wait3A_206, %dma_wait3A_207] : memref<256x64xf32, #tpu.memory_space<vmem>> -> memref<128x64xf32, #tpu.memory_space<vmem>>
      %dma_wait3A_209 = arith.constant 0 : i32
      %dma_wait3A_210 = tpu.memref_slice %arg5[%add3A_196, %dma_wait3A_209] : memref<200x128xi32, #tpu.memory_space<vmem>> -> memref<1x128xi32, #tpu.memory_space<vmem>>
      %dma_wait3A_211 = tpu.memref_squeeze %dma_wait3A_210 : memref<1x128xi32, #tpu.memory_space<vmem>> -> memref<128xi32, #tpu.memory_space<vmem>>
      %dma_wait3A_212 = arith.constant 0 : i32
      %dma_wait3A_213 = arith.constant 0 : i32
      %dma_wait3A_214 = tpu.memref_slice %arg3[%dma_wait3A_212, %dma_wait3A_213] : memref<1000000x64xf32, #tpu.memory_space<hbm>> -> memref<1000000x64xf32, #tpu.memory_space<hbm>>
      tpu.wait_indirect_dma semaphore(%arg13 : memref<!tpu.dma_semaphore, #tpu.memory_space<semaphore_mem>>) src(%dma_wait3A_214 : memref<1000000x64xf32, #tpu.memory_space<hbm>>) dst(%dma_wait3A_208 : memref<128x64xf32, #tpu.memory_space<vmem>>)
      %mul3A_215 = arith.constant 256 : i32
      %mul3A_216 = arith.muli %add3A_181, %mul3A_215 : i32
      %add3A_217 = arith.addi %mul3A_2, %mul3A_216 : i32
      %dma_start3A_218 = arith.constant 0 : i32
      %dma_start3A_219 = tpu.memref_slice %arg4[%add3A_217, %dma_start3A_218] : memref<819200x64xf32, #tpu.memory_space<hbm>> -> memref<256x64xf32, #tpu.memory_space<hbm>>
      %dma_start3A_220 = arith.constant 0 : i32
      %dma_start3A_221 = tpu.memref_slice %arg4[%add3A_217, %dma_start3A_220] : memref<819200x64xf32, #tpu.memory_space<hbm>> -> memref<256x64xf32, #tpu.memory_space<hbm>>
      tpu.enqueue_dma source(%arg8 : memref<256x64xf32, #tpu.memory_space<vmem>>) target(%dma_start3A_221 : memref<256x64xf32, #tpu.memory_space<hbm>>) target_semaphore(%arg18 : memref<!tpu.dma_semaphore, #tpu.memory_space<semaphore_mem>>)
      %add3A_222 = arith.constant 3 : i32
      %add3A_223 = arith.addi %mul3A_98, %add3A_222 : i32
      %add3A_224 = arith.constant 3 : i32
      %add3A_225 = arith.addi %add3A_223, %add3A_224 : i32
      %lt3A_226 = arith.constant 100 : i32
      %lt3A_227 = arith.cmpi slt, %add3A_225, %lt3A_226 : i32
      %convert_element_type3A_228 = arith.extui %lt3A_227 : i1 to i32
      %cond3A_229 = arith.constant 0 : i32
      %cond3A_230 = arith.cmpi ne, %convert_element_type3A_228, %cond3A_229 : i32
      scf.if %cond3A_230 {
        %ge3A = arith.constant 5 : i32
        %ge3A_306 = arith.cmpi sge, %add3A_225, %ge3A : i32
        %convert_element_type3A_307 = arith.extui %ge3A_306 : i1 to i32
        %cond3A_308 = arith.constant 0 : i32
        %cond3A_309 = arith.cmpi ne, %convert_element_type3A_307, %cond3A_308 : i32
        scf.if %cond3A_309 {
          %sub3A = arith.constant 5 : i32
          %sub3A_336 = arith.subi %add3A_225, %sub3A : i32
          %mul3A_337 = arith.constant 256 : i32
          %mul3A_338 = arith.muli %sub3A_336, %mul3A_337 : i32
          %add3A_339 = arith.addi %mul3A_2, %mul3A_338 : i32
          %dma_wait3A_340 = arith.constant 0 : i32
          %dma_wait3A_341 = tpu.memref_slice %arg4[%add3A_339, %dma_wait3A_340] : memref<819200x64xf32, #tpu.memory_space<hbm>> -> memref<256x64xf32, #tpu.memory_space<hbm>>
          %dma_wait3A_342 = arith.constant 0 : i32
          %dma_wait3A_343 = tpu.memref_slice %arg4[%add3A_339, %dma_wait3A_342] : memref<819200x64xf32, #tpu.memory_space<hbm>> -> memref<256x64xf32, #tpu.memory_space<hbm>>
          tpu.wait_dma2 semaphore(%arg17 : memref<!tpu.dma_semaphore, #tpu.memory_space<semaphore_mem>>) src(%arg7 : memref<256x64xf32, #tpu.memory_space<vmem>>) dst(%dma_wait3A_343 : memref<256x64xf32, #tpu.memory_space<hbm>>)
        } else {
        }
        %mul3A_310 = arith.constant 2 : i32
        %mul3A_311 = arith.muli %add3A_225, %mul3A_310 : i32
        %add3A_312 = arith.constant 0 : i32
        %add3A_313 = arith.addi %mul3A_311, %add3A_312 : i32
        %mul3A_314 = arith.constant 2 : i32
        %mul3A_315 = arith.muli %add3A_225, %mul3A_314 : i32
        %add3A_316 = arith.constant 1 : i32
        %add3A_317 = arith.addi %mul3A_315, %add3A_316 : i32
        %dma_start3A_318 = arith.constant 0 : i32
        %dma_start3A_319 = arith.constant 0 : i32
        %dma_start3A_320 = tpu.memref_slice %arg7[%dma_start3A_318, %dma_start3A_319] : memref<256x64xf32, #tpu.memory_space<vmem>> -> memref<128x64xf32, #tpu.memory_space<vmem>>
        %dma_start3A_321 = arith.constant 0 : i32
        %dma_start3A_322 = tpu.memref_slice %arg5[%add3A_313, %dma_start3A_321] : memref<200x128xi32, #tpu.memory_space<vmem>> -> memref<1x128xi32, #tpu.memory_space<vmem>>
        %dma_start3A_323 = tpu.memref_squeeze %dma_start3A_322 : memref<1x128xi32, #tpu.memory_space<vmem>> -> memref<128xi32, #tpu.memory_space<vmem>>
        %dma_start3A_324 = arith.constant 0 : i32
        %dma_start3A_325 = arith.constant 0 : i32
        %dma_start3A_326 = tpu.memref_slice %arg3[%dma_start3A_324, %dma_start3A_325] : memref<1000000x64xf32, #tpu.memory_space<hbm>> -> memref<1000000x64xf32, #tpu.memory_space<hbm>>
        tpu.enqueue_indirect_dma source(%dma_start3A_326 : memref<1000000x64xf32, #tpu.memory_space<hbm>>) target(%dma_start3A_320 : memref<128x64xf32, #tpu.memory_space<vmem>>) offsets(%dma_start3A_323 : memref<128xi32, #tpu.memory_space<vmem>>) semaphore(%arg12 : memref<!tpu.dma_semaphore, #tpu.memory_space<semaphore_mem>>)
        %dma_start3A_327 = arith.constant 128 : i32
        %dma_start3A_328 = arith.constant 0 : i32
        %dma_start3A_329 = tpu.memref_slice %arg7[%dma_start3A_327, %dma_start3A_328] : memref<256x64xf32, #tpu.memory_space<vmem>> -> memref<128x64xf32, #tpu.memory_space<vmem>>
        %dma_start3A_330 = arith.constant 0 : i32
        %dma_start3A_331 = tpu.memref_slice %arg5[%add3A_317, %dma_start3A_330] : memref<200x128xi32, #tpu.memory_space<vmem>> -> memref<1x128xi32, #tpu.memory_space<vmem>>
        %dma_start3A_332 = tpu.memref_squeeze %dma_start3A_331 : memref<1x128xi32, #tpu.memory_space<vmem>> -> memref<128xi32, #tpu.memory_space<vmem>>
        %dma_start3A_333 = arith.constant 0 : i32
        %dma_start3A_334 = arith.constant 0 : i32
        %dma_start3A_335 = tpu.memref_slice %arg3[%dma_start3A_333, %dma_start3A_334] : memref<1000000x64xf32, #tpu.memory_space<hbm>> -> memref<1000000x64xf32, #tpu.memory_space<hbm>>
        tpu.enqueue_indirect_dma source(%dma_start3A_335 : memref<1000000x64xf32, #tpu.memory_space<hbm>>) target(%dma_start3A_329 : memref<128x64xf32, #tpu.memory_space<vmem>>) offsets(%dma_start3A_332 : memref<128xi32, #tpu.memory_space<vmem>>) semaphore(%arg12 : memref<!tpu.dma_semaphore, #tpu.memory_space<semaphore_mem>>)
      } else {
      }
      %mul3A_231 = arith.constant 2 : i32
      %mul3A_232 = arith.muli %add3A_223, %mul3A_231 : i32
      %add3A_233 = arith.constant 0 : i32
      %add3A_234 = arith.addi %mul3A_232, %add3A_233 : i32
      %mul3A_235 = arith.constant 2 : i32
      %mul3A_236 = arith.muli %add3A_223, %mul3A_235 : i32
      %add3A_237 = arith.constant 1 : i32
      %add3A_238 = arith.addi %mul3A_236, %add3A_237 : i32
      %dma_wait3A_239 = arith.constant 0 : i32
      %dma_wait3A_240 = arith.constant 0 : i32
      %dma_wait3A_241 = tpu.memref_slice %arg9[%dma_wait3A_239, %dma_wait3A_240] : memref<256x64xf32, #tpu.memory_space<vmem>> -> memref<128x64xf32, #tpu.memory_space<vmem>>
      %dma_wait3A_242 = arith.constant 0 : i32
      %dma_wait3A_243 = tpu.memref_slice %arg5[%add3A_234, %dma_wait3A_242] : memref<200x128xi32, #tpu.memory_space<vmem>> -> memref<1x128xi32, #tpu.memory_space<vmem>>
      %dma_wait3A_244 = tpu.memref_squeeze %dma_wait3A_243 : memref<1x128xi32, #tpu.memory_space<vmem>> -> memref<128xi32, #tpu.memory_space<vmem>>
      %dma_wait3A_245 = arith.constant 0 : i32
      %dma_wait3A_246 = arith.constant 0 : i32
      %dma_wait3A_247 = tpu.memref_slice %arg3[%dma_wait3A_245, %dma_wait3A_246] : memref<1000000x64xf32, #tpu.memory_space<hbm>> -> memref<1000000x64xf32, #tpu.memory_space<hbm>>
      tpu.wait_indirect_dma semaphore(%arg14 : memref<!tpu.dma_semaphore, #tpu.memory_space<semaphore_mem>>) src(%dma_wait3A_247 : memref<1000000x64xf32, #tpu.memory_space<hbm>>) dst(%dma_wait3A_241 : memref<128x64xf32, #tpu.memory_space<vmem>>)
      %dma_wait3A_248 = arith.constant 128 : i32
      %dma_wait3A_249 = arith.constant 0 : i32
      %dma_wait3A_250 = tpu.memref_slice %arg9[%dma_wait3A_248, %dma_wait3A_249] : memref<256x64xf32, #tpu.memory_space<vmem>> -> memref<128x64xf32, #tpu.memory_space<vmem>>
      %dma_wait3A_251 = arith.constant 0 : i32
      %dma_wait3A_252 = tpu.memref_slice %arg5[%add3A_238, %dma_wait3A_251] : memref<200x128xi32, #tpu.memory_space<vmem>> -> memref<1x128xi32, #tpu.memory_space<vmem>>
      %dma_wait3A_253 = tpu.memref_squeeze %dma_wait3A_252 : memref<1x128xi32, #tpu.memory_space<vmem>> -> memref<128xi32, #tpu.memory_space<vmem>>
      %dma_wait3A_254 = arith.constant 0 : i32
      %dma_wait3A_255 = arith.constant 0 : i32
      %dma_wait3A_256 = tpu.memref_slice %arg3[%dma_wait3A_254, %dma_wait3A_255] : memref<1000000x64xf32, #tpu.memory_space<hbm>> -> memref<1000000x64xf32, #tpu.memory_space<hbm>>
      tpu.wait_indirect_dma semaphore(%arg14 : memref<!tpu.dma_semaphore, #tpu.memory_space<semaphore_mem>>) src(%dma_wait3A_256 : memref<1000000x64xf32, #tpu.memory_space<hbm>>) dst(%dma_wait3A_250 : memref<128x64xf32, #tpu.memory_space<vmem>>)
      %mul3A_257 = arith.constant 256 : i32
      %mul3A_258 = arith.muli %add3A_223, %mul3A_257 : i32
      %add3A_259 = arith.addi %mul3A_2, %mul3A_258 : i32
      %dma_start3A_260 = arith.constant 0 : i32
      %dma_start3A_261 = tpu.memref_slice %arg4[%add3A_259, %dma_start3A_260] : memref<819200x64xf32, #tpu.memory_space<hbm>> -> memref<256x64xf32, #tpu.memory_space<hbm>>
      %dma_start3A_262 = arith.constant 0 : i32
      %dma_start3A_263 = tpu.memref_slice %arg4[%add3A_259, %dma_start3A_262] : memref<819200x64xf32, #tpu.memory_space<hbm>> -> memref<256x64xf32, #tpu.memory_space<hbm>>
      tpu.enqueue_dma source(%arg9 : memref<256x64xf32, #tpu.memory_space<vmem>>) target(%dma_start3A_263 : memref<256x64xf32, #tpu.memory_space<hbm>>) target_semaphore(%arg19 : memref<!tpu.dma_semaphore, #tpu.memory_space<semaphore_mem>>)
      %add3A_264 = arith.constant 4 : i32
      %add3A_265 = arith.addi %mul3A_98, %add3A_264 : i32
      %add3A_266 = arith.constant 3 : i32
      %add3A_267 = arith.addi %add3A_265, %add3A_266 : i32
      %lt3A_268 = arith.constant 100 : i32
      %lt3A_269 = arith.cmpi slt, %add3A_267, %lt3A_268 : i32
      %convert_element_type3A_270 = arith.extui %lt3A_269 : i1 to i32
      %cond3A_271 = arith.constant 0 : i32
      %cond3A_272 = arith.cmpi ne, %convert_element_type3A_270, %cond3A_271 : i32
      scf.if %cond3A_272 {
        %ge3A = arith.constant 5 : i32
        %ge3A_306 = arith.cmpi sge, %add3A_267, %ge3A : i32
        %convert_element_type3A_307 = arith.extui %ge3A_306 : i1 to i32
        %cond3A_308 = arith.constant 0 : i32
        %cond3A_309 = arith.cmpi ne, %convert_element_type3A_307, %cond3A_308 : i32
        scf.if %cond3A_309 {
          %sub3A = arith.constant 5 : i32
          %sub3A_336 = arith.subi %add3A_267, %sub3A : i32
          %mul3A_337 = arith.constant 256 : i32
          %mul3A_338 = arith.muli %sub3A_336, %mul3A_337 : i32
          %add3A_339 = arith.addi %mul3A_2, %mul3A_338 : i32
          %dma_wait3A_340 = arith.constant 0 : i32
          %dma_wait3A_341 = tpu.memref_slice %arg4[%add3A_339, %dma_wait3A_340] : memref<819200x64xf32, #tpu.memory_space<hbm>> -> memref<256x64xf32, #tpu.memory_space<hbm>>
          %dma_wait3A_342 = arith.constant 0 : i32
          %dma_wait3A_343 = tpu.memref_slice %arg4[%add3A_339, %dma_wait3A_342] : memref<819200x64xf32, #tpu.memory_space<hbm>> -> memref<256x64xf32, #tpu.memory_space<hbm>>
          tpu.wait_dma2 semaphore(%arg18 : memref<!tpu.dma_semaphore, #tpu.memory_space<semaphore_mem>>) src(%arg8 : memref<256x64xf32, #tpu.memory_space<vmem>>) dst(%dma_wait3A_343 : memref<256x64xf32, #tpu.memory_space<hbm>>)
        } else {
        }
        %mul3A_310 = arith.constant 2 : i32
        %mul3A_311 = arith.muli %add3A_267, %mul3A_310 : i32
        %add3A_312 = arith.constant 0 : i32
        %add3A_313 = arith.addi %mul3A_311, %add3A_312 : i32
        %mul3A_314 = arith.constant 2 : i32
        %mul3A_315 = arith.muli %add3A_267, %mul3A_314 : i32
        %add3A_316 = arith.constant 1 : i32
        %add3A_317 = arith.addi %mul3A_315, %add3A_316 : i32
        %dma_start3A_318 = arith.constant 0 : i32
        %dma_start3A_319 = arith.constant 0 : i32
        %dma_start3A_320 = tpu.memref_slice %arg8[%dma_start3A_318, %dma_start3A_319] : memref<256x64xf32, #tpu.memory_space<vmem>> -> memref<128x64xf32, #tpu.memory_space<vmem>>
        %dma_start3A_321 = arith.constant 0 : i32
        %dma_start3A_322 = tpu.memref_slice %arg5[%add3A_313, %dma_start3A_321] : memref<200x128xi32, #tpu.memory_space<vmem>> -> memref<1x128xi32, #tpu.memory_space<vmem>>
        %dma_start3A_323 = tpu.memref_squeeze %dma_start3A_322 : memref<1x128xi32, #tpu.memory_space<vmem>> -> memref<128xi32, #tpu.memory_space<vmem>>
        %dma_start3A_324 = arith.constant 0 : i32
        %dma_start3A_325 = arith.constant 0 : i32
        %dma_start3A_326 = tpu.memref_slice %arg3[%dma_start3A_324, %dma_start3A_325] : memref<1000000x64xf32, #tpu.memory_space<hbm>> -> memref<1000000x64xf32, #tpu.memory_space<hbm>>
        tpu.enqueue_indirect_dma source(%dma_start3A_326 : memref<1000000x64xf32, #tpu.memory_space<hbm>>) target(%dma_start3A_320 : memref<128x64xf32, #tpu.memory_space<vmem>>) offsets(%dma_start3A_323 : memref<128xi32, #tpu.memory_space<vmem>>) semaphore(%arg13 : memref<!tpu.dma_semaphore, #tpu.memory_space<semaphore_mem>>)
        %dma_start3A_327 = arith.constant 128 : i32
        %dma_start3A_328 = arith.constant 0 : i32
        %dma_start3A_329 = tpu.memref_slice %arg8[%dma_start3A_327, %dma_start3A_328] : memref<256x64xf32, #tpu.memory_space<vmem>> -> memref<128x64xf32, #tpu.memory_space<vmem>>
        %dma_start3A_330 = arith.constant 0 : i32
        %dma_start3A_331 = tpu.memref_slice %arg5[%add3A_317, %dma_start3A_330] : memref<200x128xi32, #tpu.memory_space<vmem>> -> memref<1x128xi32, #tpu.memory_space<vmem>>
        %dma_start3A_332 = tpu.memref_squeeze %dma_start3A_331 : memref<1x128xi32, #tpu.memory_space<vmem>> -> memref<128xi32, #tpu.memory_space<vmem>>
        %dma_start3A_333 = arith.constant 0 : i32
        %dma_start3A_334 = arith.constant 0 : i32
        %dma_start3A_335 = tpu.memref_slice %arg3[%dma_start3A_333, %dma_start3A_334] : memref<1000000x64xf32, #tpu.memory_space<hbm>> -> memref<1000000x64xf32, #tpu.memory_space<hbm>>
        tpu.enqueue_indirect_dma source(%dma_start3A_335 : memref<1000000x64xf32, #tpu.memory_space<hbm>>) target(%dma_start3A_329 : memref<128x64xf32, #tpu.memory_space<vmem>>) offsets(%dma_start3A_332 : memref<128xi32, #tpu.memory_space<vmem>>) semaphore(%arg13 : memref<!tpu.dma_semaphore, #tpu.memory_space<semaphore_mem>>)
      } else {
      }
      %mul3A_273 = arith.constant 2 : i32
      %mul3A_274 = arith.muli %add3A_265, %mul3A_273 : i32
      %add3A_275 = arith.constant 0 : i32
      %add3A_276 = arith.addi %mul3A_274, %add3A_275 : i32
      %mul3A_277 = arith.constant 2 : i32
      %mul3A_278 = arith.muli %add3A_265, %mul3A_277 : i32
      %add3A_279 = arith.constant 1 : i32
      %add3A_280 = arith.addi %mul3A_278, %add3A_279 : i32
      %dma_wait3A_281 = arith.constant 0 : i32
      %dma_wait3A_282 = arith.constant 0 : i32
      %dma_wait3A_283 = tpu.memref_slice %arg10[%dma_wait3A_281, %dma_wait3A_282] : memref<256x64xf32, #tpu.memory_space<vmem>> -> memref<128x64xf32, #tpu.memory_space<vmem>>
      %dma_wait3A_284 = arith.constant 0 : i32
      %dma_wait3A_285 = tpu.memref_slice %arg5[%add3A_276, %dma_wait3A_284] : memref<200x128xi32, #tpu.memory_space<vmem>> -> memref<1x128xi32, #tpu.memory_space<vmem>>
      %dma_wait3A_286 = tpu.memref_squeeze %dma_wait3A_285 : memref<1x128xi32, #tpu.memory_space<vmem>> -> memref<128xi32, #tpu.memory_space<vmem>>
      %dma_wait3A_287 = arith.constant 0 : i32
      %dma_wait3A_288 = arith.constant 0 : i32
      %dma_wait3A_289 = tpu.memref_slice %arg3[%dma_wait3A_287, %dma_wait3A_288] : memref<1000000x64xf32, #tpu.memory_space<hbm>> -> memref<1000000x64xf32, #tpu.memory_space<hbm>>
      tpu.wait_indirect_dma semaphore(%arg15 : memref<!tpu.dma_semaphore, #tpu.memory_space<semaphore_mem>>) src(%dma_wait3A_289 : memref<1000000x64xf32, #tpu.memory_space<hbm>>) dst(%dma_wait3A_283 : memref<128x64xf32, #tpu.memory_space<vmem>>)
      %dma_wait3A_290 = arith.constant 128 : i32
      %dma_wait3A_291 = arith.constant 0 : i32
      %dma_wait3A_292 = tpu.memref_slice %arg10[%dma_wait3A_290, %dma_wait3A_291] : memref<256x64xf32, #tpu.memory_space<vmem>> -> memref<128x64xf32, #tpu.memory_space<vmem>>
      %dma_wait3A_293 = arith.constant 0 : i32
      %dma_wait3A_294 = tpu.memref_slice %arg5[%add3A_280, %dma_wait3A_293] : memref<200x128xi32, #tpu.memory_space<vmem>> -> memref<1x128xi32, #tpu.memory_space<vmem>>
      %dma_wait3A_295 = tpu.memref_squeeze %dma_wait3A_294 : memref<1x128xi32, #tpu.memory_space<vmem>> -> memref<128xi32, #tpu.memory_space<vmem>>
      %dma_wait3A_296 = arith.constant 0 : i32
      %dma_wait3A_297 = arith.constant 0 : i32
      %dma_wait3A_298 = tpu.memref_slice %arg3[%dma_wait3A_296, %dma_wait3A_297] : memref<1000000x64xf32, #tpu.memory_space<hbm>> -> memref<1000000x64xf32, #tpu.memory_space<hbm>>
      tpu.wait_indirect_dma semaphore(%arg15 : memref<!tpu.dma_semaphore, #tpu.memory_space<semaphore_mem>>) src(%dma_wait3A_298 : memref<1000000x64xf32, #tpu.memory_space<hbm>>) dst(%dma_wait3A_292 : memref<128x64xf32, #tpu.memory_space<vmem>>)
      %mul3A_299 = arith.constant 256 : i32
      %mul3A_300 = arith.muli %add3A_265, %mul3A_299 : i32
      %add3A_301 = arith.addi %mul3A_2, %mul3A_300 : i32
      %dma_start3A_302 = arith.constant 0 : i32
      %dma_start3A_303 = tpu.memref_slice %arg4[%add3A_301, %dma_start3A_302] : memref<819200x64xf32, #tpu.memory_space<hbm>> -> memref<256x64xf32, #tpu.memory_space<hbm>>
      %dma_start3A_304 = arith.constant 0 : i32
      %dma_start3A_305 = tpu.memref_slice %arg4[%add3A_301, %dma_start3A_304] : memref<819200x64xf32, #tpu.memory_space<hbm>> -> memref<256x64xf32, #tpu.memory_space<hbm>>
      tpu.enqueue_dma source(%arg10 : memref<256x64xf32, #tpu.memory_space<vmem>>) target(%dma_start3A_305 : memref<256x64xf32, #tpu.memory_space<hbm>>) target_semaphore(%arg20 : memref<!tpu.dma_semaphore, #tpu.memory_space<semaphore_mem>>)
    }
    %scan3A_66 = arith.constant 20 : i32
    %add3A_67 = arith.constant 24320 : i32
    %add3A_68 = arith.addi %mul3A_2, %add3A_67 : i32
    %dma_wait3A = arith.constant 0 : i32
    %dma_wait3A_69 = tpu.memref_slice %arg4[%add3A_68, %dma_wait3A] : memref<819200x64xf32, #tpu.memory_space<hbm>> -> memref<256x64xf32, #tpu.memory_space<hbm>>
    %dma_wait3A_70 = arith.constant 0 : i32
    %dma_wait3A_71 = tpu.memref_slice %arg4[%add3A_68, %dma_wait3A_70] : memref<819200x64xf32, #tpu.memory_space<hbm>> -> memref<256x64xf32, #tpu.memory_space<hbm>>
    tpu.wait_dma2 semaphore(%arg16 : memref<!tpu.dma_semaphore, #tpu.memory_space<semaphore_mem>>) src(%arg6 : memref<256x64xf32, #tpu.memory_space<vmem>>) dst(%dma_wait3A_71 : memref<256x64xf32, #tpu.memory_space<hbm>>)
    %add3A_72 = arith.constant 24576 : i32
    %add3A_73 = arith.addi %mul3A_2, %add3A_72 : i32
    %dma_wait3A_74 = arith.constant 0 : i32
    %dma_wait3A_75 = tpu.memref_slice %arg4[%add3A_73, %dma_wait3A_74] : memref<819200x64xf32, #tpu.memory_space<hbm>> -> memref<256x64xf32, #tpu.memory_space<hbm>>
    %dma_wait3A_76 = arith.constant 0 : i32
    %dma_wait3A_77 = tpu.memref_slice %arg4[%add3A_73, %dma_wait3A_76] : memref<819200x64xf32, #tpu.memory_space<hbm>> -> memref<256x64xf32, #tpu.memory_space<hbm>>
    tpu.wait_dma2 semaphore(%arg17 : memref<!tpu.dma_semaphore, #tpu.memory_space<semaphore_mem>>) src(%arg7 : memref<256x64xf32, #tpu.memory_space<vmem>>) dst(%dma_wait3A_77 : memref<256x64xf32, #tpu.memory_space<hbm>>)
    %add3A_78 = arith.constant 24832 : i32
    %add3A_79 = arith.addi %mul3A_2, %add3A_78 : i32
    %dma_wait3A_80 = arith.constant 0 : i32
    %dma_wait3A_81 = tpu.memref_slice %arg4[%add3A_79, %dma_wait3A_80] : memref<819200x64xf32, #tpu.memory_space<hbm>> -> memref<256x64xf32, #tpu.memory_space<hbm>>
    %dma_wait3A_82 = arith.constant 0 : i32
    %dma_wait3A_83 = tpu.memref_slice %arg4[%add3A_79, %dma_wait3A_82] : memref<819200x64xf32, #tpu.memory_space<hbm>> -> memref<256x64xf32, #tpu.memory_space<hbm>>
    tpu.wait_dma2 semaphore(%arg18 : memref<!tpu.dma_semaphore, #tpu.memory_space<semaphore_mem>>) src(%arg8 : memref<256x64xf32, #tpu.memory_space<vmem>>) dst(%dma_wait3A_83 : memref<256x64xf32, #tpu.memory_space<hbm>>)
    %add3A_84 = arith.constant 25088 : i32
    %add3A_85 = arith.addi %mul3A_2, %add3A_84 : i32
    %dma_wait3A_86 = arith.constant 0 : i32
    %dma_wait3A_87 = tpu.memref_slice %arg4[%add3A_85, %dma_wait3A_86] : memref<819200x64xf32, #tpu.memory_space<hbm>> -> memref<256x64xf32, #tpu.memory_space<hbm>>
    %dma_wait3A_88 = arith.constant 0 : i32
    %dma_wait3A_89 = tpu.memref_slice %arg4[%add3A_85, %dma_wait3A_88] : memref<819200x64xf32, #tpu.memory_space<hbm>> -> memref<256x64xf32, #tpu.memory_space<hbm>>
    tpu.wait_dma2 semaphore(%arg19 : memref<!tpu.dma_semaphore, #tpu.memory_space<semaphore_mem>>) src(%arg9 : memref<256x64xf32, #tpu.memory_space<vmem>>) dst(%dma_wait3A_89 : memref<256x64xf32, #tpu.memory_space<hbm>>)
    %add3A_90 = arith.constant 25344 : i32
    %add3A_91 = arith.addi %mul3A_2, %add3A_90 : i32
    %dma_wait3A_92 = arith.constant 0 : i32
    %dma_wait3A_93 = tpu.memref_slice %arg4[%add3A_91, %dma_wait3A_92] : memref<819200x64xf32, #tpu.memory_space<hbm>> -> memref<256x64xf32, #tpu.memory_space<hbm>>
    %dma_wait3A_94 = arith.constant 0 : i32
    %dma_wait3A_95 = tpu.memref_slice %arg4[%add3A_91, %dma_wait3A_94] : memref<819200x64xf32, #tpu.memory_space<hbm>> -> memref<256x64xf32, #tpu.memory_space<hbm>>
    tpu.wait_dma2 semaphore(%arg20 : memref<!tpu.dma_semaphore, #tpu.memory_space<semaphore_mem>>) src(%arg10 : memref<256x64xf32, #tpu.memory_space<vmem>>) dst(%dma_wait3A_95 : memref<256x64xf32, #tpu.memory_space<hbm>>)
    return
  }
}

</mosaic_0001>

<sc_bundles>
// kernel: kernel.3.cloned.1.call-start
scs
__scs_entry_jumppad:
0x0: {  	(pc) =	sbr.rel $0x88, $3  }
0x1: {  	(tag) =	ssettag $0x0;
	lr =	simm.s32 $0x1  }
0x2: {  	[smem:$0x3F9F] =	sst lr;
	_ =	strace $0xD0000000  }
0x3: {  	_ = 	snop  }
0x4: {  	_ = 	snop  }
0x5: {  	_ = 	snop  }
0x6: {  	_ = 	snop  }
0x7: {  	_ = 	snop  }
__scs_overlays_trampoline_lowered:
0x8: {  	[smem:$0x3FAE] =	sst s0  }
0x9: {  	[smem:$0x3FAF] =	sst s1  }
0xa: {  	[smem:$0x3FB0] =	sst s2  }
0xb: {  	[smem:$0x3FB1] =	sst s3  }
0xc: {  	[smem:$0x3FB2] =	sst s4  }
0xd: {  	[smem:$0x3FB3] =	sst s5  }
0xe: {  	[smem:$0x3FB4] =	sst s6  }
0xf: {  	[smem:$0x3FB5] =	sst s7  }
0x10: {  	[smem:$0x3FB6] =	sst s8  }
0x11: {  	[smem:$0x3FB7] =	sst s9;
	s0 =	simm.s32 @!p0 $0x0  }
0x12: {  	s1 =	sld [smem:$0x3F9D];
	s0 =	simm.s32 @p0 $0x1  }
0x13: {  	[smem:$0x3FB8] =	sst s0;
	s0 =	simm.s32 @!p1 $0x0  }
0x14: {  	s2 =	sld [smem:$0x3F9C];
	s0 =	simm.s32 @p1 $0x1  }
0x15: {  	[smem:$0x3FB9] =	sst s0;
	s0 =	simm.s32 @!p2 $0x0  }
0x16: {  	s3 =	sld [smem:$0x3FDB];
	s0 =	simm.s32 @p2 $0x1  }
0x17: {  	s4 =	simm.s32 $0x1BF5;
	[smem:$0x3FBB] =	sst s0  }
0x18: {  	s0 =	sld [smem:$0x3F9E];
	_ =	swait.ge [sflag:s4], $0x0  }
0x19: {  	s7 =	sld [smem:$0x3F9F]  }
0x1a: {  	s8 =	sadd.s32 $0xFFFFE003, lr  }
0x1b: {  	s9 =	sadd.s32 $0xFFFFFEF7, lr;
	s5 =	simm.s32 $0xFFFFFFFF;
	p2 =	slt.u32 s8, $0xFFFFF086  }
0x1c: {  	p1 =	slt.u32 s9, $0xF7A;
	s5 =	simm.s32 @!p2 $0x0  }
0x1d: {  	s5 =	simm.s32 @p1 $0x1;
	p0 =	seq.s32 s7, s2  }
0x1e: {  	s7 =	smul.u32 @!p0 $0xF7A, s2;
	p2 =	seq.s32 @!p0 s5, $0x0  }
0x1f: {  	s9 =	smul.u32 $0xF7A, s1;
	s8 =	simm.s32 @!p0 $0x1BF5;
	p2 =	por !p2, p0  }
0x20: {  	[sflag:s8] =	ssyncset.s32 @!p0 $0xFFFFF086;
	s6 =	sadd.s32 @!p0 s3, s7;
	s7 =	simm.s32 @!p0 $0x108  }
0x21: {  	s3 =	sadd.s32 s3, s9;
	s6 =	sadd.s32 @!p0 $0x88, s6;
	s7 =	simm.s32 @p2 $0x1082  }
0x22: {  	[simem:s7], [sflag:s8] =	dma.local @!p0 [hbm:s6], $0xF7A  }
0x23: {  	s9 =	sor.u32 $0xD0000000, s2;
	s6 =	simm.s32 $0x108;
	_ =	swait.ge @!p0 [sflag:s8], $0x0  }
0x24: {  	s3 =	sadd.s32 $0x88, s3;
	s6 =	simm.s32 @!p1 $0x1082;
	[sflag:s4] =	ssyncset.s32 $0xFFFFF086  }
0x25: {  	[simem:s6], [sflag:s4] =	dma.local [hbm:s3], $0xF7A  }
0x26: {  	[smem:$0x3F9F] =	sst s1;
	(tag) =	ssettag s2;
	_ =	strace s9  }
0x27: {  	s1 =	sld [smem:$0x3FAF]  }
0x28: {  	s2 =	sld [smem:$0x3FB0]  }
0x29: {  	s4 =	sld [smem:$0x3FB2]  }
0x2a: {  	p0 =	seq.s32 s5, $0x0;
	s5 =	sld [smem:$0x3FB3]  }
0x2b: {  	s6 =	sld [smem:$0x3FB4]  }
0x2c: {  	s7 =	sld [smem:$0x3FB5]  }
0x2d: {  	s3 =	simm.s32 $0x108;
	s8 =	sld [smem:$0x3FB6]  }
0x2e: {  	s3 =	simm.s32 @!p0 $0x1082;
	s9 =	sld [smem:$0x3FB7]  }
0x2f: {  	lr =	sadd.s32 s0, s3;
	s0 =	sld [smem:$0x3FAE]  }
0x30: {  	s3 =	sld [smem:$0x3FB1]  }
0x31: {  	[smem:$0x3FBA] =	sst s10  }
0x32: {  	s10 =	sld [smem:$0x3FB8];
	_ =	sdelay $0x3  }
0x33: {  	p0 =	seq.s32 s10, $0x1;
	s10 =	sld [smem:$0x3FBA];
	_ =	sdelay $0x3  }
0x34: {  	[smem:$0x3FBA] =	sst s10  }
0x35: {  	s10 =	sld [smem:$0x3FB9];
	_ =	sdelay $0x3  }
0x36: {  	p1 =	seq.s32 s10, $0x1;
	s10 =	sld [smem:$0x3FBA];
	_ =	sdelay $0x3  }
0x37: {  	[smem:$0x3FBA] =	sst s10  }
0x38: {  	s10 =	sld [smem:$0x3FBB]  }
0x39: {  	_ = 	snop;
	(pc) =	sbr.ind lr, $3  }
0x3a: {  	_ = 	snop  }
0x3b: {  	_ = 	snop  }
0x3c: {  	p2 =	seq.s32 s10, $0x1;
	s10 =	sld [smem:$0x3FBA]  }
0x3d: {  	_ =	shalt  }
0x3e: {  	_ =	shalt  }
0x3f: {  	_ =	shalt  }
0x40: {  	_ =	shalt  }
0x41: {  	_ =	shalt  }
0x42: {  	_ =	shalt  }
0x43: {  	_ =	shalt  }
0x44: {  	_ =	shalt  }
0x45: {  	_ =	shalt  }
0x46: {  	_ =	shalt  }
0x47: {  	_ =	shalt  }
0x48: {  	_ =	shalt  }
0x49: {  	_ =	shalt  }
0x4a: {  	_ =	shalt  }
0x4b: {  	_ =	shalt  }
0x4c: {  	_ =	shalt  }
0x4d: {  	_ =	shalt  }
0x4e: {  	_ =	shalt  }
0x4f: {  	_ =	shalt  }
0x50: {  	_ =	shalt  }
0x51: {  	_ =	shalt  }
0x52: {  	_ =	shalt  }
0x53: {  	_ =	shalt  }
0x54: {  	_ =	shalt  }
0x55: {  	_ =	shalt  }
0x56: {  	_ =	shalt  }
0x57: {  	_ =	shalt  }
0x58: {  	_ =	shalt  }
0x59: {  	_ =	shalt  }
0x5a: {  	_ =	shalt  }
0x5b: {  	_ =	shalt  }
0x5c: {  	_ =	shalt  }
0x5d: {  	_ =	shalt  }
0x5e: {  	_ =	shalt  }
0x5f: {  	_ =	shalt  }
0x60: {  	_ =	shalt  }
0x61: {  	_ =	shalt  }
0x62: {  	_ =	shalt  }
0x63: {  	_ =	shalt  }
0x64: {  	_ =	shalt  }
0x65: {  	_ =	shalt  }
0x66: {  	_ =	shalt  }
0x67: {  	_ =	shalt  }
0x68: {  	_ =	shalt  }
0x69: {  	_ =	shalt  }
0x6a: {  	_ =	shalt  }
0x6b: {  	_ =	shalt  }
0x6c: {  	_ =	shalt  }
0x6d: {  	_ =	shalt  }
0x6e: {  	_ =	shalt  }
0x6f: {  	_ =	shalt  }
0x70: {  	_ =	shalt  }
0x71: {  	_ =	shalt  }
0x72: {  	_ =	shalt  }
0x73: {  	_ =	shalt  }
0x74: {  	_ =	shalt  }
0x75: {  	_ =	shalt  }
0x76: {  	_ =	shalt  }
0x77: {  	_ =	shalt  }
0x78: {  	_ =	shalt  }
0x79: {  	_ =	shalt  }
0x7a: {  	_ =	shalt  }
0x7b: {  	_ =	shalt  }
0x7c: {  	_ =	shalt  }
0x7d: {  	_ =	shalt  }
0x7e: {  	_ =	shalt  }
0x7f: {  	_ =	shalt  }
0x80: {  	_ =	shalt  }
0x81: {  	_ =	shalt  }
0x82: {  	_ =	shalt  }
0x83: {  	_ =	shalt  }
0x84: {  	_ =	shalt  }
0x85: {  	_ =	shalt  }
0x86: {  	_ =	shalt  }
0x87: {  	_ =	shalt  }
.Lfunc_end0:
.L_simem_size_0:
called_computation.1_lowered:
.L_overlay_start_0:
0x88: {  	s2 =	sld [smem:$0x3FD9]  }
0x89: {  	s3 =	sld [smem:$0x3FFE];
	_ =	sdelay $0x1  }
0x8a: {  	s1 =	srdreg.scid  }
0x8b: {  	s0 =	sand.u32 $0x1, s1  }
0x8c: {  	s17 =	sshll.u32 s0, $0xA;
	s2 =	sadd.s32 s3, s2  }
0x8d: {  	s2 =	sadd.s32 s2, s17  }
0x8e: {  	[smem:$0x3FC6] =	sst s2  }
0x8f: {  	_ = 	snop  }
0x90: {  	s2 =	sld [smem:$0x3FD0];
	(tm) =	ssettm $0x1  }
0x91: {  	s18 =	sld [smem:$0x3FFB];
	_ =	sdelay $0x3  }
0x92: {  	_ =	strace s18  }
0x93: {  	s3 =	sld [smem:$0x3FFC];
	_ =	sdelay $0x3  }
0x94: {  	_ =	strace s3  }
0x95: {  	s3 =	sld [smem:$0x3FFD];
	_ =	sdelay $0x3  }
0x96: {  	_ =	strace s3  }
0x97: {  	_ =	strace $0x8FFFFFFF  }
0x98: {  	s19 =	sld [smem:$0x3FDB];
	_ =	sdelay $0x1  }
0x99: {  	s4 =	simm.s32 $_scs_section_size  }
0x9a: {  	s5 =	simm.s32 $_size__tile_overlayer_lowered;
	s6 =	simm.s32 $_tile_overlayer_lowered  }
0x9b: {  	s22 =	simm.s32 $0x1BFF;
	s21 =	sshll.u32 s6, $0x1;
	s3 =	sadd.s32 s4, s19  }
0x9c: {  	s7 =	simm.s32 $0x0;
	s20 =	sshll.u32 s5, $0x1;
	s5 =	sadd.s32 s21, s3  }
0x9d: {  	[timem:s7], [sflag:s22] =	dma.local [hbm:s5], s20  }
0x9e: {  	_ =	swait.ge [sflag:s22], s20  }
0x9f: {  	s4 =	ssub.s32 $0x0, s20;
	[sflag:s22] =	ssyncset.done $0x0  }
0xa0: {  	[sflag:s22] =	ssyncadd.s32 s4;
	_ =	sdelay $0x1  }
0xa1: {  	s23 =	simm.s32 $0x1B8B  }
0xa2: {  	_ =	swait.ge [sflag:s23], $0x1  }
0xa3: {  	[sflag:s23] =	ssyncset.done $0x0  }
0xa4: {  	s25 =	simm.s32 $0x1B8E;
	s24 =	sld [smem:$0x3FFE];
	[sflag:s23] =	ssyncadd.s32 $0xFFFFFFFF  }
0xa5: {  	s26 =	simm.s32 $execute0_lowered;
	[smem:$0x3FD2] =	sst s25  }
0xa6: {  	s5 =	sshll.u32 s26, $0x1;
	_ =	strace $0x80000046;
	[dreg:$0x1] =	wrdreg $0xFFFFFFFF  }
0xa7: {  	s28 =	simm.s32 $_size_execute0_lowered;
	s3 =	sadd.s32 s3, s5;
	[dreg:$0x0] =	wrdreg $0x0  }
0xa8: {  	s5 =	sshll.u32 s28, $0x1;
	[dreg:$0x2] =	wrdreg s3  }
0xa9: {  	[dreg:$0x3] =	wrdreg s5  }
0xaa: {  	[dreg:$0x4] =	wrdreg $0xC0  }
0xab: {  	_ =	task [dreg:s7], $0x5FFFF  }
0xac: {  	[dreg:$0x1] =	wrdreg $0xFFFFFFFF  }
0xad: {  	[dreg:$0x0] =	wrdreg $0x60  }
0xae: {  	[dreg:$0x2] =	wrdreg s24  }
0xaf: {  	[dreg:$0x3] =	wrdreg s2  }
0xb0: {  	[dreg:$0x4] =	wrdreg $0x9  }
0xb1: {  	_ =	task.clear_ibuf [dreg:s7], $0x5FFFF;
	_ =	strace $0x90000046  }
0xb2: {  	s29 =	simm.s32 $0x9;
	_ =	strace $0x80000048  }
0xb3: {  	_ =	swait.ge [sflag:s29], $0x1  }
0xb4: {  	[sflag:s29] =	ssyncadd.s32 $0xFFFFFFFF  }
0xb5: {  	_ =	strace $0x90000048  }
0xb6: {  	_ =	sfence  }
0xb7: {  	s30 =	sld [smem:$0x0];
	_ =	sdelay $0x2  }
0xb8: {  	s31 =	sshll.u32 s1, $0xD;
	s1 =	sshrl.u32 s1, $0x2  }
0xb9: {  	s3 =	sand.u32 $0x4000, s31;
	s1 =	sadd.s32 s1, s30  }
0xba: {  	s0 =	sor.u32 s3, s0;
	s1 =	sshll.u32 s1, $0x11  }
0xbb: {  	s0 =	sor.u32 s1, s0  }
0xbc: {  	s0 =	sadd.s32 $0x8F2B, s0  }
0xbd: {  	[sflag:s0] =	ssyncadd.remote.s32 $0x1  }
0xbe: {  	_ =	sfence.sel $0xFFFF  }
0xbf: {  	[dreg:$0x0] =	wrdreg $0xFFFFFFFF;
	(pc) =	sbr.abs _section_cstart, $3  }
0xc0: {  	[dreg:$0x1] =	wrdreg $0xFFFFFFFF  }
0xc1: {  	_ =	task.clear_ibuf [dreg:s7], $0x2FFFF;
	_ =	strace $0x9FFFFFFF  }
0xc2: {  	(tm) =	ssettm $0x7FFFFFFF  }
0xc3: {  	_ =	shalt  }
tec
execute0_lowered:
.L_overlay_start_1:
0x0: {  	(tag) =	ssettag $0x1  }
0x1: {  	s0 =	srdreg.scid  }
0x2: {  	s10 =	stileid.u32;
	s1 =	rddreg [dreg:$0x0]  }
0x3: {  	s4 =	rddreg [dreg:$0x1];
	s12 =	simm.s32 $0x80;
	s13 =	simm.s32 $0x6400  }
0x4: {  	s16 =	simm.s32 $0xA400;
	s25 =	simm.s32 $0x14400;
	s5 =	smul.u32 $0xC800, s10  }
0x5: {  	s26 =	simm.s32 $0x18400;
	s28 =	simm.s32 $0x3;
	s9 =	smul.u32 $0x320000, s10  }
0x6: {  	s29 =	simm.s32 $0x4;
	s0 =	sand.u32 $0x1, s0;
	s22 =	smul.u32 $0x64000, s10  }
0x7: {  	s30 =	simm.s32 $0x5;
	s2 =	sshll.u32 s10, $0x1;
	s6 =	smul.u32 $0x6400, s0  }
0x8: {  	s17 =	simm.s32 $0x0;
	s3 =	sor.u32 s0, s2;
	s19 =	smul.u32 $0x190000, s0  }
0x9: {  	s2 =	simm.s32 $0x0;
	s18 =	ssub.s32 $0x2, s0;
	s0 =	smul.u32 $0x32000, s0  }
0xa: {  	s3 =	smul.u32 $0x6400, s3;
	[smem:$0x7FF] =	sst s2;
	s8 =	sshrl.u32 s18, $0x1  }
0xb: {  	_ =	strace $0x80000047;
	s5 =	sadd.s32 s6, s5;
	[dreg:$0x3] =	wrdreg s25  }
0xc: {  	[dreg:$0x4] =	wrdreg s26;
	s25 =	simm.s32 $0x16400;
	s3 =	sshrl.u32 s3, $0x3  }
0xd: {  	s26 =	simm.s32 $0x2;
	s5 =	sshll.u32 s5, $0x3;
	s7 =	sadd.s32 s3, s1  }
0xe: {  	s3 =	sadd.s32 $0xF42E00, s1;
	s1 =	ssub.s32 s18, s8;
	s20 =	sadd.s32 $0xA00, s7  }
0xf: {  	s21 =	sadd.s32 s5, s4;
	s1 =	smax.u32 s1, $0x1;
	[dreg:$0x5] =	wrdreg s20  }
0x10: {  	s8 =	sadd.s32 s19, s9;
	s5 =	sadd.s32 $0x1000, s21;
	[dreg:$0x6] =	wrdreg s1  }
0x11: {  	s23 =	sadd.s32 $0x10000, s8;
	s9 =	sor.u32 $0xC000, s8;
	[dreg:$0x7] =	wrdreg s5  }
0x12: {  	s1 =	sadd.s32 $0x800, s21;
	s5 =	sadd.s32 s22, s4;
	s24 =	sshrl.u32 s9, $0x3  }
0x13: {  	s20 =	simm.s32 $0xE400;
	[dreg:$0x8] =	wrdreg s1;
	s1 =	sshrl.u32 s23, $0x3  }
0x14: {  	s0 =	sadd.s32 s0, s5;
	s10 =	sadd.s32 s24, s4;
	s23 =	simm.s32 $0x12400  }
0x15: {  	s24 =	simm.s32 $0x1;
	[dreg:$0x9] =	wrdreg s0;
	s31 =	sadd.s32 s1, s4  }
.LBB2_1:
0x16: {  	s0 =	rddreg [dreg:$0x5];
	s4 =	simm.s32 $0xB  }
0x17: {  	[tilespmem:s2], [sflag:$0xB] =	stream.linear.gather [hbm4b:s0+s2], $0x6400, $0x38;
	[tilespmem:$0x1A400] =	vst v63  }
0x18: {  	_ =	swait.ge [sflag:s4], $0x6400  }
0x19: {  	[sflag:s4] =	ssyncset.done $0x0  }
0x1a: {  	[sflag:s4] =	ssyncadd.s32 $0xFFFF9C00  }
0x1b: {  	[tilespmem:s13], [sflag:$0x1] =	stream.indirect.gather [hbm4b:s3+s12], $0x40, s2, s12, $0xb8;
	[tilespmem:$0x1A400] =	vst v63  }
0x1c: {  	s5 =	simm.s32 $0x8400  }
0x1d: {  	[tilespmem:s5], [sflag:$0x1] =	stream.indirect.gather [hbm4b:s3+s12], $0x40, s12, s12, $0xb8;
	[tilespmem:$0x1A400] =	vst v63  }
0x1e: {  	s6 =	simm.s32 $0x100  }
0x1f: {  	[tilespmem:s16], [sflag:$0x2] =	stream.indirect.gather [hbm4b:s3+s12], $0x40, s6, s12, $0xb8;
	[tilespmem:$0x1A400] =	vst v63  }
0x20: {  	s7 =	simm.s32 $0x180;
	s1 =	simm.s32 $0xC400;
	p0 =	por $0x1, $0x1  }
0x21: {  	[tilespmem:s1], [sflag:$0x2] =	stream.indirect.gather [hbm4b:s3+s12], $0x40, s7, s12, $0xb8;
	[tilespmem:$0x1A400] =	vst v63  }
0x22: {  	s8 =	simm.s32 $0x200;
	p0 =	por p0, p0  }
0x23: {  	[tilespmem:s20], [sflag:$0x3] =	stream.indirect.gather [hbm4b:s3+s12], $0x40, s8, s12, $0xb8;
	[tilespmem:$0x1A400] =	vst v63  }
0x24: {  	s9 =	simm.s32 $0x280;
	s11 =	simm.s32 $0x10400;
	s0 =	simm.s32 @!p0 $0x9  }
0x25: {  	[tilespmem:s11], [sflag:$0x3] =	stream.indirect.gather [hbm4b:s3+s12], $0x40, s9, s12, $0xb8;
	[tilespmem:$0x1A400] =	vst v63  }
0x26: {  	_ =	swait.ge @!p0 [sflag:s0], $0x4000  }
0x27: {  	[sflag:s0] =	ssyncset.done @!p0 $0x0  }
0x28: {  	s14 =	simm.s32 $0x300;
	[sflag:s0] =	ssyncadd.s32 @!p0 $0xFFFFC000  }
0x29: {  	[tilespmem:s23], [sflag:$0x4] =	stream.indirect.gather [hbm4b:s3+s12], $0x40, s14, s12, $0xb8;
	[tilespmem:$0x1A400] =	vst v63  }
0x2a: {  	s18 =	simm.s32 $0x380;
	s15 =	rddreg [dreg:$0x3]  }
0x2b: {  	[tilespmem:s15], [sflag:$0x4] =	stream.indirect.gather [hbm4b:s3+s12], $0x40, s18, s12, $0xb8;
	[tilespmem:$0x1A400] =	vst v63  }
0x2c: {  	_ =	swait.ge [sflag:s24], $0x2000  }
0x2d: {  	[sflag:s24] =	ssyncset.done $0x0  }
0x2e: {  	[sflag:s24] =	ssyncadd.s32 $0xFFFFE000  }
0x2f: {  	_ =	swait.ge [sflag:s24], $0x2000  }
0x30: {  	[sflag:s24] =	ssyncset.done $0x0  }
0x31: {  	s0 =	simm.s32 @!p0 $0xA;
	s8 =	rddreg [dreg:$0x9];
	[sflag:s24] =	ssyncadd.s32 $0xFFFFE000  }
0x32: {  	[hbm4b:s8+s2] =	stream.linear.scatter [tilespmem:s13], [sflag:$0x6], $0x4000, $0x38;
	[tilespmem:$0x1A400] =	vst v63  }
0x33: {  	_ =	swait.ge @!p0 [sflag:s0], $0x4000  }
0x34: {  	[sflag:s0] =	ssyncset.done @!p0 $0x0  }
0x35: {  	s19 =	simm.s32 $0x400;
	[sflag:s0] =	ssyncadd.s32 @!p0 $0xFFFFC000  }
0x36: {  	[tilespmem:s25], [sflag:$0x5] =	stream.indirect.gather [hbm4b:s3+s12], $0x40, s19, s12, $0xb8;
	[tilespmem:$0x1A400] =	vst v63  }
0x37: {  	s22 =	simm.s32 $0x480;
	s21 =	rddreg [dreg:$0x4]  }
0x38: {  	[tilespmem:s21], [sflag:$0x5] =	stream.indirect.gather [hbm4b:s3+s12], $0x40, s22, s12, $0xb8;
	[tilespmem:$0x1A400] =	vst v63  }
0x39: {  	_ =	swait.ge [sflag:s26], $0x2000  }
0x3a: {  	[sflag:s26] =	ssyncset.done $0x0  }
0x3b: {  	[sflag:s26] =	ssyncadd.s32 $0xFFFFE000  }
0x3c: {  	_ =	swait.ge [sflag:s26], $0x2000  }
0x3d: {  	p0 =	por $0x0, $0x0;
	[sflag:s26] =	ssyncset.done $0x0  }
0x3e: {  	s0 =	simm.s32 @!p0 $0x6;
	s7 =	rddreg [dreg:$0x8];
	[sflag:s26] =	ssyncadd.s32 $0xFFFFE000  }
0x3f: {  	[hbm4b:s7+s2] =	stream.linear.scatter [tilespmem:s16], [sflag:$0x7], $0x4000, $0x38;
	[tilespmem:$0x1A400] =	vst v63  }
0x40: {  	_ =	swait.ge @!p0 [sflag:s0], $0x4000  }
0x41: {  	s1 =	simm.s32 @!p0 $0x500;
	[sflag:s0] =	ssyncset.done @!p0 $0x0  }
0x42: {  	s4 =	simm.s32 @!p0 $0x80;
	s5 =	simm.s32 @!p0 $0x6400;
	[sflag:s0] =	ssyncadd.s32 @!p0 $0xFFFFC000  }
0x43: {  	[tilespmem:s5], [sflag:$0x1] =	stream.indirect.gather @!p0 [hbm4b:s3+s4], $0x40, s1, s4, $0xb8;
	[tilespmem:$0x1A400] =	vst v63  }
0x44: {  	s0 =	simm.s32 @!p0 $0x580;
	s1 =	simm.s32 @!p0 $0x8400  }
0x45: {  	[tilespmem:s1], [sflag:$0x1] =	stream.indirect.gather @!p0 [hbm4b:s3+s4], $0x40, s0, s4, $0xb8;
	[tilespmem:$0x1A400] =	vst v63  }
0x46: {  	_ =	swait.ge [sflag:s28], $0x2000  }
0x47: {  	[sflag:s28] =	ssyncset.done $0x0  }
0x48: {  	[sflag:s28] =	ssyncadd.s32 $0xFFFFE000  }
0x49: {  	_ =	swait.ge [sflag:s28], $0x2000  }
0x4a: {  	[sflag:s28] =	ssyncset.done $0x0  }
0x4b: {  	s0 =	simm.s32 @!p0 $0x7;
	s6 =	rddreg [dreg:$0x7];
	[sflag:s28] =	ssyncadd.s32 $0xFFFFE000  }
0x4c: {  	[hbm4b:s6+s2] =	stream.linear.scatter [tilespmem:s20], [sflag:$0x8], $0x4000, $0x38;
	[tilespmem:$0x1A400] =	vst v63  }
0x4d: {  	_ =	swait.ge @!p0 [sflag:s0], $0x4000  }
0x4e: {  	[sflag:s0] =	ssyncset.done @!p0 $0x0  }
0x4f: {  	s5 =	simm.s32 @!p0 $0xA400;
	s1 =	simm.s32 @!p0 $0x600;
	[sflag:s0] =	ssyncadd.s32 @!p0 $0xFFFFC000  }
0x50: {  	[tilespmem:s5], [sflag:$0x2] =	stream.indirect.gather @!p0 [hbm4b:s3+s4], $0x40, s1, s4, $0xb8;
	[tilespmem:$0x1A400] =	vst v63  }
0x51: {  	s0 =	simm.s32 @!p0 $0x680;
	s1 =	simm.s32 @!p0 $0xC400  }
0x52: {  	[tilespmem:s1], [sflag:$0x2] =	stream.indirect.gather @!p0 [hbm4b:s3+s4], $0x40, s0, s4, $0xb8;
	[tilespmem:$0x1A400] =	vst v63  }
0x53: {  	_ =	swait.ge [sflag:s29], $0x2000  }
0x54: {  	[sflag:s29] =	ssyncset.done $0x0  }
0x55: {  	[sflag:s29] =	ssyncadd.s32 $0xFFFFE000  }
0x56: {  	_ =	swait.ge [sflag:s29], $0x2000  }
0x57: {  	[sflag:s29] =	ssyncset.done $0x0  }
0x58: {  	s0 =	simm.s32 @!p0 $0x8;
	[sflag:s29] =	ssyncadd.s32 $0xFFFFE000  }
0x59: {  	[hbm4b:s10+s2] =	stream.linear.scatter [tilespmem:s23], [sflag:$0x9], $0x4000, $0x38;
	[tilespmem:$0x1A400] =	vst v63  }
0x5a: {  	_ =	swait.ge @!p0 [sflag:s0], $0x4000  }
0x5b: {  	[sflag:s0] =	ssyncset.done @!p0 $0x0  }
0x5c: {  	s5 =	simm.s32 @!p0 $0xE400;
	s1 =	simm.s32 @!p0 $0x700;
	[sflag:s0] =	ssyncadd.s32 @!p0 $0xFFFFC000  }
0x5d: {  	[tilespmem:s5], [sflag:$0x3] =	stream.indirect.gather @!p0 [hbm4b:s3+s4], $0x40, s1, s4, $0xb8;
	[tilespmem:$0x1A400] =	vst v63  }
0x5e: {  	p6 =	por $0x0, $0x0;
	s0 =	simm.s32 @!p0 $0x780;
	s1 =	simm.s32 @!p0 $0x10400  }
0x5f: {  	[tilespmem:s1], [sflag:$0x3] =	stream.indirect.gather @!p0 [hbm4b:s3+s4], $0x40, s0, s4, $0xb8;
	[tilespmem:$0x1A400] =	vst v63  }
0x60: {  	s11 =	simm.s32 $0x2800;
	s9 =	smov.u32 s31;
	_ =	swait.ge [sflag:s30], $0x2000  }
0x61: {  	s18 =	sadd.s32 $0x2800, s31;
	s19 =	sadd.s32 $0x2800, s10;
	[sflag:s30] =	ssyncset.done $0x0  }
0x62: {  	s22 =	simm.s32 $0x1400;
	s21 =	sadd.s32 $0x2800, s6;
	[sflag:s30] =	ssyncadd.s32 $0xFFFFE000  }
0x63: {  	s5 =	sadd.s32 $0x2800, s8;
	p0 =	por p6, p6;
	_ =	swait.ge [sflag:s30], $0x2000  }
0x64: {  	s4 =	sadd.s32 $0x2800, s7;
	s0 =	simm.s32 @!p0 $0x9;
	[sflag:s30] =	ssyncset.done $0x0  }
.LBB2_2:
0x65: {  	[sflag:s30] =	ssyncadd.s32 $0xFFFFE000  }
0x66: {  	[hbm4b:s9+s2] =	stream.linear.scatter [tilespmem:s25], [sflag:$0xA], $0x4000, $0x38;
	[tilespmem:$0x1A400] =	vst v63  }
0x67: {  	_ =	swait.ge @!p0 [sflag:s0], $0x4000  }
0x68: {  	s14 =	sshra.s32 s22, $0x2;
	[sflag:s0] =	ssyncset.done @!p0 $0x0  }
0x69: {  	s8 =	sadd.s32 $0x300, s14;
	[sflag:s0] =	ssyncadd.s32 @!p0 $0xFFFFC000  }
0x6a: {  	[tilespmem:s23], [sflag:$0x4] =	stream.indirect.gather [hbm4b:s3+s12], $0x40, s8, s12, $0xb8;
	[tilespmem:$0x1A400] =	vst v63  }
0x6b: {  	s6 =	sadd.s32 $0x380, s14;
	s15 =	rddreg [dreg:$0x3]  }
0x6c: {  	[tilespmem:s15], [sflag:$0x4] =	stream.indirect.gather [hbm4b:s3+s12], $0x40, s6, s12, $0xb8;
	[tilespmem:$0x1A400] =	vst v63  }
0x6d: {  	_ =	swait.ge [sflag:s24], $0x2000  }
0x6e: {  	[sflag:s24] =	ssyncset.done $0x0  }
0x6f: {  	[sflag:s24] =	ssyncadd.s32 $0xFFFFE000  }
0x70: {  	_ =	swait.ge [sflag:s24], $0x2000  }
0x71: {  	[sflag:s24] =	ssyncset.done $0x0  }
0x72: {  	s0 =	simm.s32 @!p0 $0xA;
	[sflag:s24] =	ssyncadd.s32 $0xFFFFE000  }
0x73: {  	[hbm4b:s5+s2] =	stream.linear.scatter [tilespmem:s13], [sflag:$0x6], $0x4000, $0x38;
	[tilespmem:$0x1A400] =	vst v63  }
0x74: {  	_ =	swait.ge @!p0 [sflag:s0], $0x4000  }
0x75: {  	[sflag:s0] =	ssyncset.done @!p0 $0x0  }
0x76: {  	s7 =	sadd.s32 $0x400, s14;
	[sflag:s0] =	ssyncadd.s32 @!p0 $0xFFFFC000  }
0x77: {  	[tilespmem:s25], [sflag:$0x5] =	stream.indirect.gather [hbm4b:s3+s12], $0x40, s7, s12, $0xb8;
	[tilespmem:$0x1A400] =	vst v63  }
0x78: {  	s14 =	sadd.s32 $0x480, s14;
	s8 =	rddreg [dreg:$0x4]  }
0x79: {  	[tilespmem:s8], [sflag:$0x5] =	stream.indirect.gather [hbm4b:s3+s12], $0x40, s14, s12, $0xb8;
	[tilespmem:$0x1A400] =	vst v63  }
0x7a: {  	_ =	swait.ge [sflag:s26], $0x2000  }
0x7b: {  	[sflag:s26] =	ssyncset.done $0x0  }
0x7c: {  	[sflag:s26] =	ssyncadd.s32 $0xFFFFE000  }
0x7d: {  	p2 =	seq.s32 s11, $0x0;
	_ =	swait.ge [sflag:s26], $0x2000  }
0x7e: {  	p0 =	por p2, p2;
	p2 =	seq.s32 s22, $0x17C00;
	[sflag:s26] =	ssyncset.done $0x0  }
0x7f: {  	s0 =	simm.s32 @!p2 $0x6;
	[sflag:s26] =	ssyncadd.s32 $0xFFFFE000  }
0x80: {  	[hbm4b:s4+s2] =	stream.linear.scatter [tilespmem:s16], [sflag:$0x7], $0x4000, $0x38;
	[tilespmem:$0x1A400] =	vst v63  }
0x81: {  	s1 =	smov.u32 s11;
	s7 =	simm.s32 @!p2 $0x6400;
	_ =	swait.ge @!p2 [sflag:s0], $0x4000  }
0x82: {  	s14 =	sshra.s32 @!p2 s22, $0x2;
	s22 =	smov.u32 s1;
	[sflag:s0] =	ssyncset.done @!p2 $0x0  }
0x83: {  	s1 =	simm.s32 @!p2 $0x80;
	s15 =	sadd.s32 @!p2 $0x500, s14;
	[sflag:s0] =	ssyncadd.s32 @!p2 $0xFFFFC000  }
0x84: {  	[tilespmem:s7], [sflag:$0x1] =	stream.indirect.gather @!p2 [hbm4b:s3+s1], $0x40, s15, s1, $0xb8;
	[tilespmem:$0x1A400] =	vst v63  }
0x85: {  	s6 =	sadd.s32 @!p2 $0x580, s14;
	s0 =	simm.s32 @!p2 $0x8400  }
0x86: {  	[tilespmem:s0], [sflag:$0x1] =	stream.indirect.gather @!p2 [hbm4b:s3+s1], $0x40, s6, s1, $0xb8;
	[tilespmem:$0x1A400] =	vst v63  }
0x87: {  	_ =	swait.ge [sflag:s28], $0x2000  }
0x88: {  	[sflag:s28] =	ssyncset.done $0x0  }
0x89: {  	[sflag:s28] =	ssyncadd.s32 $0xFFFFE000  }
0x8a: {  	_ =	swait.ge [sflag:s28], $0x2000  }
0x8b: {  	[sflag:s28] =	ssyncset.done $0x0  }
0x8c: {  	s0 =	simm.s32 @!p2 $0x7;
	[sflag:s28] =	ssyncadd.s32 $0xFFFFE000  }
0x8d: {  	[hbm4b:s21+s2] =	stream.linear.scatter [tilespmem:s20], [sflag:$0x8], $0x4000, $0x38;
	[tilespmem:$0x1A400] =	vst v63  }
0x8e: {  	_ =	swait.ge @!p2 [sflag:s0], $0x4000  }
0x8f: {  	[sflag:s0] =	ssyncset.done @!p2 $0x0  }
0x90: {  	s8 =	sadd.s32 @!p2 $0x600, s14;
	s6 =	simm.s32 @!p2 $0xA400;
	[sflag:s0] =	ssyncadd.s32 @!p2 $0xFFFFC000  }
0x91: {  	[tilespmem:s6], [sflag:$0x2] =	stream.indirect.gather @!p2 [hbm4b:s3+s1], $0x40, s8, s1, $0xb8;
	[tilespmem:$0x1A400] =	vst v63  }
0x92: {  	s7 =	sadd.s32 @!p2 $0x680, s14;
	s0 =	simm.s32 @!p2 $0xC400  }
0x93: {  	[tilespmem:s0], [sflag:$0x2] =	stream.indirect.gather @!p2 [hbm4b:s3+s1], $0x40, s7, s1, $0xb8;
	[tilespmem:$0x1A400] =	vst v63  }
0x94: {  	_ =	swait.ge [sflag:s29], $0x2000  }
0x95: {  	[sflag:s29] =	ssyncset.done $0x0  }
0x96: {  	[sflag:s29] =	ssyncadd.s32 $0xFFFFE000  }
0x97: {  	_ =	swait.ge [sflag:s29], $0x2000  }
0x98: {  	[sflag:s29] =	ssyncset.done $0x0  }
0x99: {  	s0 =	simm.s32 @!p2 $0x8;
	[sflag:s29] =	ssyncadd.s32 $0xFFFFE000  }
0x9a: {  	[hbm4b:s19+s2] =	stream.linear.scatter [tilespmem:s23], [sflag:$0x9], $0x4000, $0x38;
	[tilespmem:$0x1A400] =	vst v63  }
0x9b: {  	_ =	swait.ge @!p2 [sflag:s0], $0x4000  }
0x9c: {  	s11 =	sadd.s32 $0x1400, s11;
	[sflag:s0] =	ssyncset.done @!p2 $0x0  }
0x9d: {  	s15 =	sadd.s32 @!p2 $0x700, s14;
	s6 =	simm.s32 @!p2 $0xE400;
	[sflag:s0] =	ssyncadd.s32 @!p2 $0xFFFFC000  }
0x9e: {  	[tilespmem:s6], [sflag:$0x3] =	stream.indirect.gather @!p2 [hbm4b:s3+s1], $0x40, s15, s1, $0xb8;
	[tilespmem:$0x1A400] =	vst v63  }
0x9f: {  	p1 =	sne.s32 s11, $0x19000;
	s14 =	sadd.s32 @!p2 $0x780, s14;
	s0 =	simm.s32 @!p2 $0x10400  }
0xa0: {  	[tilespmem:s0], [sflag:$0x3] =	stream.indirect.gather @!p2 [hbm4b:s3+s1], $0x40, s14, s1, $0xb8;
	[tilespmem:$0x1A400] =	vst v63  }
.Ltmp0:
0xa1: {  	_ =	swait.ge [sflag:s30], $0x2000;
	(pc) =	sbr.rel @p1 .LBB2_2-.Ltmp0, $4  }
0xa2: {  	s9 =	smov.u32 s18;
	[sflag:s30] =	ssyncset.done $0x0  }
0xa3: {  	s18 =	sadd.s32 $0x2800, s18;
	s5 =	sadd.s32 $0x2800, s5;
	[sflag:s30] =	ssyncadd.s32 $0xFFFFE000  }
0xa4: {  	s4 =	sadd.s32 $0x2800, s4;
	s21 =	sadd.s32 $0x2800, s21;
	_ =	swait.ge [sflag:s30], $0x2000  }
0xa5: {  	s19 =	sadd.s32 $0x2800, s19;
	s0 =	simm.s32 @!p0 $0x9;
	[sflag:s30] =	ssyncset.done $0x0  }
0xa6: {  	[sflag:s30] =	ssyncadd.s32 $0xFFFFE000  }
0xa7: {  	[hbm4b:s9+s2] =	stream.linear.scatter [tilespmem:s25], [sflag:$0xA], $0x4000, $0x38;
	[tilespmem:$0x1A400] =	vst v63  }
0xa8: {  	_ =	swait.ge @!p0 [sflag:s0], $0x4000  }
0xa9: {  	s1 =	sshra.s32 s22, $0x2;
	[sflag:s0] =	ssyncset.done @!p0 $0x0  }
0xaa: {  	s15 =	sadd.s32 $0x300, s1;
	[sflag:s0] =	ssyncadd.s32 @!p0 $0xFFFFC000  }
0xab: {  	[tilespmem:s23], [sflag:$0x4] =	stream.indirect.gather [hbm4b:s3+s12], $0x40, s15, s12, $0xb8;
	[tilespmem:$0x1A400] =	vst v63  }
0xac: {  	s7 =	sadd.s32 $0x380, s1;
	s6 =	rddreg [dreg:$0x3]  }
0xad: {  	[tilespmem:s6], [sflag:$0x4] =	stream.indirect.gather [hbm4b:s3+s12], $0x40, s7, s12, $0xb8;
	[tilespmem:$0x1A400] =	vst v63  }
0xae: {  	_ =	swait.ge [sflag:s24], $0x2000  }
0xaf: {  	[sflag:s24] =	ssyncset.done $0x0  }
0xb0: {  	[sflag:s24] =	ssyncadd.s32 $0xFFFFE000  }
0xb1: {  	_ =	swait.ge [sflag:s24], $0x2000  }
0xb2: {  	[sflag:s24] =	ssyncset.done $0x0  }
0xb3: {  	s0 =	simm.s32 @!p0 $0xA;
	[sflag:s24] =	ssyncadd.s32 $0xFFFFE000  }
0xb4: {  	[hbm4b:s5+s2] =	stream.linear.scatter [tilespmem:s13], [sflag:$0x6], $0x4000, $0x38;
	[tilespmem:$0x1A400] =	vst v63  }
0xb5: {  	_ =	swait.ge @!p0 [sflag:s0], $0x4000  }
0xb6: {  	[sflag:s0] =	ssyncset.done @!p0 $0x0  }
0xb7: {  	s8 =	sadd.s32 $0x400, s1;
	[sflag:s0] =	ssyncadd.s32 @!p0 $0xFFFFC000  }
0xb8: {  	[tilespmem:s25], [sflag:$0x5] =	stream.indirect.gather [hbm4b:s3+s12], $0x40, s8, s12, $0xb8;
	[tilespmem:$0x1A400] =	vst v63  }
0xb9: {  	s11 =	sadd.s32 $0x480, s1;
	s9 =	rddreg [dreg:$0x4]  }
0xba: {  	[tilespmem:s9], [sflag:$0x5] =	stream.indirect.gather [hbm4b:s3+s12], $0x40, s11, s12, $0xb8;
	[tilespmem:$0x1A400] =	vst v63  }
0xbb: {  	_ =	swait.ge [sflag:s26], $0x2000  }
0xbc: {  	[sflag:s26] =	ssyncset.done $0x0  }
0xbd: {  	[sflag:s26] =	ssyncadd.s32 $0xFFFFE000  }
0xbe: {  	_ =	swait.ge [sflag:s26], $0x2000  }
0xbf: {  	p0 =	seq.s32 s22, $0x17C00;
	[sflag:s26] =	ssyncset.done $0x0  }
0xc0: {  	s0 =	simm.s32 @!p0 $0x6;
	[sflag:s26] =	ssyncadd.s32 $0xFFFFE000  }
0xc1: {  	[hbm4b:s4+s2] =	stream.linear.scatter [tilespmem:s16], [sflag:$0x7], $0x4000, $0x38;
	[tilespmem:$0x1A400] =	vst v63  }
0xc2: {  	_ =	swait.ge @!p0 [sflag:s0], $0x4000  }
0xc3: {  	s1 =	sshra.s32 @!p0 s22, $0x2;
	s5 =	simm.s32 @!p0 $0x80;
	[sflag:s0] =	ssyncset.done @!p0 $0x0  }
0xc4: {  	s4 =	sadd.s32 @!p0 $0x500, s1;
	[sflag:s0] =	ssyncadd.s32 @!p0 $0xFFFFC000;
	s0 =	simm.s32 @!p0 $0x6400  }
0xc5: {  	[tilespmem:s0], [sflag:$0x1] =	stream.indirect.gather @!p0 [hbm4b:s3+s5], $0x40, s4, s5, $0xb8;
	[tilespmem:$0x1A400] =	vst v63  }
0xc6: {  	s0 =	sadd.s32 @!p0 $0x580, s1;
	s4 =	simm.s32 @!p0 $0x8400  }
0xc7: {  	[tilespmem:s4], [sflag:$0x1] =	stream.indirect.gather @!p0 [hbm4b:s3+s5], $0x40, s0, s5, $0xb8;
	[tilespmem:$0x1A400] =	vst v63  }
0xc8: {  	_ =	swait.ge [sflag:s28], $0x2000  }
0xc9: {  	[sflag:s28] =	ssyncset.done $0x0  }
0xca: {  	[sflag:s28] =	ssyncadd.s32 $0xFFFFE000  }
0xcb: {  	_ =	swait.ge [sflag:s28], $0x2000  }
0xcc: {  	[sflag:s28] =	ssyncset.done $0x0  }
0xcd: {  	s0 =	simm.s32 @!p0 $0x7;
	[sflag:s28] =	ssyncadd.s32 $0xFFFFE000  }
0xce: {  	[hbm4b:s21+s2] =	stream.linear.scatter [tilespmem:s20], [sflag:$0x8], $0x4000, $0x38;
	[tilespmem:$0x1A400] =	vst v63  }
0xcf: {  	_ =	swait.ge @!p0 [sflag:s0], $0x4000  }
0xd0: {  	[sflag:s0] =	ssyncset.done @!p0 $0x0  }
0xd1: {  	s4 =	sadd.s32 @!p0 $0x600, s1;
	[sflag:s0] =	ssyncadd.s32 @!p0 $0xFFFFC000;
	s0 =	simm.s32 @!p0 $0xA400  }
0xd2: {  	[tilespmem:s0], [sflag:$0x2] =	stream.indirect.gather @!p0 [hbm4b:s3+s5], $0x40, s4, s5, $0xb8;
	[tilespmem:$0x1A400] =	vst v63  }
0xd3: {  	s0 =	sadd.s32 @!p0 $0x680, s1;
	s4 =	simm.s32 @!p0 $0xC400  }
0xd4: {  	[tilespmem:s4], [sflag:$0x2] =	stream.indirect.gather @!p0 [hbm4b:s3+s5], $0x40, s0, s5, $0xb8;
	[tilespmem:$0x1A400] =	vst v63  }
0xd5: {  	_ =	swait.ge [sflag:s29], $0x2000  }
0xd6: {  	[sflag:s29] =	ssyncset.done $0x0  }
0xd7: {  	[sflag:s29] =	ssyncadd.s32 $0xFFFFE000  }
0xd8: {  	_ =	swait.ge [sflag:s29], $0x2000  }
0xd9: {  	[sflag:s29] =	ssyncset.done $0x0  }
0xda: {  	s0 =	simm.s32 @!p0 $0x8;
	[sflag:s29] =	ssyncadd.s32 $0xFFFFE000  }
0xdb: {  	[hbm4b:s19+s2] =	stream.linear.scatter [tilespmem:s23], [sflag:$0x9], $0x4000, $0x38;
	[tilespmem:$0x1A400] =	vst v63  }
0xdc: {  	_ =	swait.ge @!p0 [sflag:s0], $0x4000  }
0xdd: {  	[sflag:s0] =	ssyncset.done @!p0 $0x0  }
0xde: {  	s4 =	sadd.s32 @!p0 $0x700, s1;
	[sflag:s0] =	ssyncadd.s32 @!p0 $0xFFFFC000;
	s0 =	simm.s32 @!p0 $0xE400  }
0xdf: {  	[tilespmem:s0], [sflag:$0x3] =	stream.indirect.gather @!p0 [hbm4b:s3+s5], $0x40, s4, s5, $0xb8;
	[tilespmem:$0x1A400] =	vst v63  }
0xe0: {  	s0 =	sadd.s32 @!p0 $0x780, s1;
	s1 =	simm.s32 @!p0 $0x10400  }
0xe1: {  	[tilespmem:s1], [sflag:$0x3] =	stream.indirect.gather @!p0 [hbm4b:s3+s5], $0x40, s0, s5, $0xb8;
	[tilespmem:$0x1A400] =	vst v63  }
0xe2: {  	_ =	swait.ge [sflag:s30], $0x2000  }
0xe3: {  	[sflag:s30] =	ssyncset.done $0x0  }
0xe4: {  	[sflag:s30] =	ssyncadd.s32 $0xFFFFE000  }
0xe5: {  	_ =	swait.ge [sflag:s30], $0x2000  }
0xe6: {  	[sflag:s30] =	ssyncset.done $0x0  }
0xe7: {  	s14 =	simm.s32 $0x6;
	[sflag:s30] =	ssyncadd.s32 $0xFFFFE000  }
0xe8: {  	[hbm4b:s18+s2] =	stream.linear.scatter [tilespmem:s25], [sflag:$0xA], $0x4000, $0x38;
	[tilespmem:$0x1A400] =	vst v63  }
0xe9: {  	_ =	swait.ge [sflag:s14], $0x4000  }
0xea: {  	[sflag:s14] =	ssyncset.done $0x0  }
0xeb: {  	s15 =	simm.s32 $0x7;
	[sflag:s14] =	ssyncadd.s32 $0xFFFFC000  }
0xec: {  	_ =	swait.ge [sflag:s15], $0x4000  }
0xed: {  	[sflag:s15] =	ssyncset.done $0x0  }
0xee: {  	s18 =	simm.s32 $0x8;
	[sflag:s15] =	ssyncadd.s32 $0xFFFFC000  }
0xef: {  	_ =	swait.ge [sflag:s18], $0x4000  }
0xf0: {  	[sflag:s18] =	ssyncset.done $0x0  }
0xf1: {  	s19 =	simm.s32 $0x9;
	[sflag:s18] =	ssyncadd.s32 $0xFFFFC000  }
0xf2: {  	_ =	swait.ge [sflag:s19], $0x4000  }
0xf3: {  	[sflag:s19] =	ssyncset.done $0x0  }
0xf4: {  	s21 =	simm.s32 $0xA;
	[sflag:s19] =	ssyncadd.s32 $0xFFFFC000  }
0xf5: {  	_ =	swait.ge [sflag:s21], $0x4000  }
0xf6: {  	s17 =	sadd.s32 $0x1, s17;
	s22 =	rddreg [dreg:$0x6]  }
0xf7: {  	p0 =	sne.s32 s17, s22  }
.Ltmp1:
0xf8: {  	_ = 	snop;
	(pc) =	sbr.rel @p0 .LBB2_1-.Ltmp1, $3  }
0xf9: {  	_ =	sdelay $0x1  }
0xfa: {  	[sflag:s21] =	ssyncset.done $0x0  }
0xfb: {  	[sflag:s21] =	ssyncadd.s32 $0xFFFFC000  }
0xfc: {  	_ =	sfence.sel $0x180000  }
0xfd: {  	[bflag:$0x0] =	sbarrier.arrive $0xFFFF  }
0xfe: {  	_ =	strace $0x90000047  }
0xff: {  	s0 =	stileid.u32;
	[bflag:$0x2] =	sbarrier.arrive $0xFFFF  }
0x100: {  	p0 =	sne.s32 s0, $0x0;
	s0 =	rddreg [dreg:$0x2]  }
0x101: {  	s0 =	sadd.s32 @!p0 $0x100000, s0  }
0x102: {  	[sflag:s0] =	ssyncadd.tile.s32 @!p0 $0x1;
	_ =	shalt  }
.Lfunc_end2:
_tile_overlayer_lowered:
.L_overlay_start_2:
0x103: {  	(tag) =	ssettag $0x2  }
0x104: {  	s0 =	rddreg [dreg:$0x0];
	s2 =	stileid.u32  }
0x105: {  	s1 =	rddreg [dreg:$0x1];
	p0 =	sne.s32 s2, $0x0  }
0x106: {  	s3 =	rddreg [dreg:$0x2];
	[bflag:$0x3] =	sbarrier.arrive $0xFFFF;
	s2 =	simm.s32 @!p0 $0x1C0B  }
0x107: {  	[timem:s3], [sflag:s2] =	dma.local @!p0 [hbm:s0], s1  }
0x108: {  	s0 =	simm.s32 @!p0 $0xB  }
0x109: {  	_ =	swait.ge @!p0 [sflag:s0], s1  }
0x10a: {  	s1 =	ssub.s32 @!p0 $0x0, s1;
	[sflag:s0] =	ssyncset.done @!p0 $0x0  }
0x10b: {  	[sflag:s0] =	ssyncadd.s32 @!p0 s1  }
0x10c: {  	[bflag:$0x3] =	sbarrier.arrive $0xFFFF  }
0x10d: {  	_ =	shalt  }

// kernel: sparse-core-data-format-call.cloned.1.call-start
scs
called_computation_lowered:
.L_overlay_start_0:
0x0: {  	s2 =	sld [smem:$0x3FD9]  }
0x1: {  	s3 =	sld [smem:$0x3FFE];
	_ =	sdelay $0x1  }
0x2: {  	s1 =	srdreg.scid  }
0x3: {  	s0 =	sand.u32 $0x1, s1  }
0x4: {  	s18 =	sshll.u32 s0, $0xA;
	s2 =	sadd.s32 s3, s2  }
0x5: {  	s2 =	sadd.s32 s2, s18  }
0x6: {  	[smem:$0x3FC6] =	sst s2  }
0x7: {  	_ = 	snop  }
0x8: {  	s2 =	sld [smem:$0x3FD0];
	(tm) =	ssettm $0x1  }
0x9: {  	s19 =	sld [smem:$0x3FFB];
	_ =	sdelay $0x3  }
0xa: {  	_ =	strace s19  }
0xb: {  	s3 =	sld [smem:$0x3FFC];
	_ =	sdelay $0x3  }
0xc: {  	_ =	strace s3  }
0xd: {  	s3 =	sld [smem:$0x3FFD];
	_ =	sdelay $0x3  }
0xe: {  	_ =	strace s3  }
0xf: {  	_ =	strace $0x8FFFFFFF  }
0x10: {  	s20 =	sld [smem:$0x3FDB];
	_ =	sdelay $0x1  }
0x11: {  	s4 =	simm.s32 $_scs_section_size  }
0x12: {  	s5 =	simm.s32 $_size__tile_overlayer_lowered;
	s6 =	simm.s32 $_tile_overlayer_lowered  }
0x13: {  	s23 =	simm.s32 $0x1BFF;
	s22 =	sshll.u32 s6, $0x1;
	s3 =	sadd.s32 s4, s20  }
0x14: {  	s7 =	simm.s32 $0x0;
	s21 =	sshll.u32 s5, $0x1;
	s5 =	sadd.s32 s22, s3  }
0x15: {  	[timem:s7], [sflag:s23] =	dma.local [hbm:s5], s21  }
0x16: {  	_ =	swait.ge [sflag:s23], s21  }
0x17: {  	s4 =	ssub.s32 $0x0, s21;
	[sflag:s23] =	ssyncset.done $0x0  }
0x18: {  	[sflag:s23] =	ssyncadd.s32 s4;
	_ =	sdelay $0x1  }
0x19: {  	s24 =	simm.s32 $0x1B8B  }
0x1a: {  	_ =	swait.ge [sflag:s24], $0x1  }
0x1b: {  	[sflag:s24] =	ssyncset.done $0x0  }
0x1c: {  	s26 =	simm.s32 $0x1B8E;
	s25 =	sld [smem:$0x3FFE];
	[sflag:s24] =	ssyncadd.s32 $0xFFFFFFFF  }
0x1d: {  	s27 =	simm.s32 $execute0_lowered;
	[smem:$0x3FD2] =	sst s26  }
0x1e: {  	s5 =	sshll.u32 s27, $0x1;
	_ =	strace $0x80000049;
	[dreg:$0x1] =	wrdreg $0xFFFFFFFF  }
0x1f: {  	s28 =	simm.s32 $_size_execute0_lowered;
	s3 =	sadd.s32 s3, s5;
	[dreg:$0x0] =	wrdreg $0x0  }
0x20: {  	s5 =	sshll.u32 s28, $0x1;
	[dreg:$0x2] =	wrdreg s3  }
0x21: {  	[dreg:$0x3] =	wrdreg s5  }
0x22: {  	[dreg:$0x4] =	wrdreg $0xC0  }
0x23: {  	_ =	task [dreg:s7], $0x5FFFF  }
0x24: {  	[dreg:$0x1] =	wrdreg $0xFFFFFFFF  }
0x25: {  	[dreg:$0x0] =	wrdreg $0x60  }
0x26: {  	[dreg:$0x2] =	wrdreg s25  }
0x27: {  	[dreg:$0x3] =	wrdreg s2  }
0x28: {  	[dreg:$0x4] =	wrdreg $0x9  }
0x29: {  	_ =	task.clear_ibuf [dreg:s7], $0x5FFFF;
	_ =	strace $0x90000049  }
0x2a: {  	s29 =	simm.s32 $0x9;
	_ =	strace $0x8000004B  }
0x2b: {  	_ =	swait.ge [sflag:s29], $0x1  }
0x2c: {  	[sflag:s29] =	ssyncadd.s32 $0xFFFFFFFF  }
0x2d: {  	_ =	strace $0x9000004B  }
0x2e: {  	_ =	sfence  }
0x2f: {  	s30 =	sld [smem:$0x0];
	_ =	sdelay $0x2  }
0x30: {  	s31 =	sshll.u32 s1, $0xD;
	s1 =	sshrl.u32 s1, $0x2  }
0x31: {  	s3 =	sand.u32 $0x4000, s31;
	s1 =	sadd.s32 s1, s30  }
0x32: {  	s0 =	sor.u32 s3, s0;
	s1 =	sshll.u32 s1, $0x11  }
0x33: {  	s0 =	sor.u32 s1, s0  }
0x34: {  	s0 =	sadd.s32 $0x8F2B, s0  }
0x35: {  	[sflag:s0] =	ssyncadd.remote.s32 $0x1  }
0x36: {  	_ =	sfence.sel $0xFFFF  }
0x37: {  	[dreg:$0x0] =	wrdreg $0xFFFFFFFF;
	(pc) =	sbr.abs _section_cstart, $3  }
0x38: {  	[dreg:$0x1] =	wrdreg $0xFFFFFFFF  }
0x39: {  	_ =	task.clear_ibuf [dreg:s7], $0x2FFFF;
	_ =	strace $0x9FFFFFFF  }
0x3a: {  	(tm) =	ssettm $0x7FFFFFFF  }
0x3b: {  	_ =	shalt  }
tec
execute0_lowered:
.L_overlay_start_1:
0x0: {  	(tag) =	ssettag $0x1  }
0x1: {  	s0 =	srdreg.scid  }
0x2: {  	s1 =	sshll.u32 s0, $0x4  }
0x3: {  	s0 =	stileid.u32;
	s1 =	sand.u32 $0x10, s1  }
0x4: {  	s1 =	sor.u32 s0, s1  }
0x5: {  	s6 =	rddreg [dreg:$0x0];
	s4 =	simm.s32 $0x1;
	s2 =	sshll.u32 s1, $0x7  }
0x6: {  	s7 =	simm.s32 $0x2;
	s12 =	simm.s32 $0x0;
	s1 =	ssub.s32 $0x1000, s2  }
0x7: {  	s8 =	simm.s32 $0x8000;
	s13 =	simm.s32 $0x0;
	s3 =	sand.u32 $0xF80, s1  }
0x8: {  	s9 =	simm.s32 $0x0;
	s5 =	sshrl.u32 s1, $0xC;
	p0 =	sne.s32 s3, $0x0  }
.Ltmp0:
0x9: {  	s1 =	rddreg [dreg:$0x2];
	s4 =	simm.s32 @!p0 $0x0;
	(pc) =	sbr.rel .LBB1_1-.Ltmp0, $4  }
0xa: {  	s11 =	simm.s32 $0x0;
	s3 =	rddreg [dreg:$0x1];
	s5 =	sadd.s32 s4, s5  }
0xb: {  	_ =	strace $0x8000004A;
	s4 =	simm.s32 $0x1;
	s5 =	smul.u32 $0xC8, s5  }
0xc: {  	s6 =	sadd.s32 $0xA00, s6;
	s10 =	smov.u32 s2;
	[sflag:s4] =	ssyncpa.u1 $0x0  }
0xd: {  	p0 =	por $0x0, $0x0;
	[sflag:s7] =	ssyncpa.u1 $0x0;
	s7 =	sor.u32 $0x1, s5  }
.LBB1_4:
0xe: {  	s16 =	sshll.u32 s13, $0x3;
	s17 =	sand.u32 $0x78, s13  }
0xf: {  	s30 =	sand.u32 $0x7E00, s13;
	s12 =	sshll.u32 s12, $0xF;
	s16 =	sand.u32 $0xC00, s16  }
0x10: {  	[tilespmem:s15+$0x810 ss:$0x81] =	vst.msk $0xffff, v2;
	s31 =	sand.u32 $0x7, s13;
	s16 =	sor.u32 s17, s16;
	s17 =	sadd.s32 s3, s30  }
0x11: {  	[tilespmem:s15+$0x1020 ss:$0x81] =	vst.msk $0xffff, v0;
	s13 =	sshll.u32 s31, $0x12;
	s12 =	sadd.s32 s12, s17;
	s16 =	sshrl.u32 s16, $0x3  }
0x12: {  	[tilespmem:s15+$0x0 ss:$0x81] =	vst.msk $0xffff, v1;
	s13 =	sor.u32 $0x400, s13;
	s12 =	sadd.s32 s16, s12  }
0x13: {  	[hbm4b:s12+s13] =	stream.strided.scatter [tilespmem:s14], [sflag:$0x2], $0x2000, s8, s13, $0x20;
	[tilespmem:$0x8080] =	vst v63  }
.LBB1_5:
0x14: {  	s14 =	sadd.s32 $0x1, s9  }
0x15: {  	s12 =	sadd.s32 $0x1000, s10;
	s16 =	smov.u32 s10;
	p2 =	sgt.s32 s14, $0xC7  }
0x16: {  	s16 =	smov.u32 @p2 s12  }
0x17: {  	s14 =	simm.s32 @p2 $0x0;
	p2 =	sgt.s32 s16, $0xFFF  }
0x18: {  	s16 =	smov.u32 @p2 s2;
	p2 =	sne.s32 s11, s7  }
.Ltmp1:
0x19: {  	p1 =	slt.u32 s11, $0x2;
	(pc) =	sbr.rel @!p2 .LBB1_6-.Ltmp1, $4  }
0x1a: {  	s15 =	simm.s32 @!p1 $0x2  }
0x1b: {  	s13 =	smov.u32 s10;
	p0 =	por !p0, !p0;
	_ =	swait.ge @!p1 [sflag:s15], $0x2000  }
0x1c: {  	s12 =	smov.u32 s9;
	[sflag:s15] =	ssyncset.done @!p1 $0x0;
	s9 =	smov.u32 s14  }
0x1d: {  	s11 =	sadd.s32 $0x1, s11;
	[sflag:s15] =	ssyncadd.s32 @!p1 $0xFFFFE000;
	s10 =	smov.u32 s16  }
.LBB1_1:
0x1e: {  	p1 =	sge.u32 s11, s5  }
0x1f: {  	s14 =	sand.u32 @!p1 $0x1FFFFFF, s9  }
0x20: {  	s15 =	smulhi.u32 @!p1 $0x147AE15, s14;
	_ =	sdelay $0x1  }
0x21: {  	s15 =	smul.u32 @!p1 $0xC8, s15  }
0x22: {  	s16 =	sxor.u32 @!p1 $0xFFFFFFFF, s11;
	s17 =	smul.u32 @!p1 $0xC80, s10  }
0x23: {  	s31 =	sadd.s32 $0xFFFFFFFF, s11;
	s16 =	sshll.u32 @!p1 s16, $0xD;
	s14 =	ssub.s32 @!p1 s14, s15  }
0x24: {  	s15 =	sand.u32 @!p1 $0x2000, s16;
	s16 =	sadd.s32 @!p1 s6, s17;
	s14 =	sshll.u32 @!p1 s14, $0x4  }
0x25: {  	s17 =	simm.s32 @!p1 $0x6400;
	s14 =	sadd.s32 @!p1 s14, s16;
	s16 =	simm.s32 @!p1 $0x40  }
0x26: {  	[tilespmem:s15], [sflag:$0x1] =	stream.strided.gather @!p1 [hbm4b:s14+s16], $0x2000, s17, s16, $0x38;
	[tilespmem:$0x8080] =	vst v63  }
0x27: {  	p1 =	sge.u32 s31, s5  }
.Ltmp2:
0x28: {  	_ = 	snop;
	(pc) =	sbr.rel @p1 .LBB1_5-.Ltmp2, $1  }
0x29: {  	_ =	sdelay $0x3  }
0x2a: {  	s14 =	simm.s32 $0x1  }
0x2b: {  	_ =	swait.ge [sflag:s4], $0x2000;
	s14 =	simm.s32 @!p0 $0x0  }
0x2c: {  	[sflag:s4] =	ssyncset.done $0x0;
	s15 =	sshll.u32 s14, $0xD  }
0x2d: {  	[sflag:s4] =	ssyncadd.s32 $0xFFFFE000;
	s18 =	sor.u32 $0x20, s15  }
0x2e: {  	s14 =	smul.u32 $0x8100, s14;
	v3 =	vld [tilespmem:s18+$0x10]  }
0x2f: {  	s30 =	sand.u32 $0x1, s11;
	v2 =	vld [tilespmem:s18+$0xFFFFFFF0]  }
0x30: {  	s15 =	smul.u32 $0x8100, s30;
	s14 =	sshrl.u32 s14, $0x2;
	v0 =	vld [tilespmem:s18+$0x0]  }
0x31: {  	v1 =	vld [tilespmem:s18+$0xFFFFFFE0];
	s16 =	sor.u32 $0x4000, s14  }
0x32: {  	s31 =	sshrl.u32 s15, $0x2;
	s15 =	sadd.s32 $0x0, s16  }
0x33: {  	s17 =	simm.s32 $0x4;
	s18 =	sadd.s32 $0x40, s18;
	s14 =	sor.u32 $0x4000, s31;
	[tilespmem:s15+$0x1830 ss:$0x81] =	vst.msk $0xffff, v3  }
.LBB1_3:
0x34: {  	v3 =	vld [tilespmem:s18+$0x10];
	p1 =	sne.s32 s17, $0x1FC;
	[tilespmem:s15+$0x810 ss:$0x81] =	vst.msk $0xffff, v2;
	s19 =	smov.u32 s17;
	s17 =	sadd.s32 $0x4, s17  }
.Ltmp3:
0x35: {  	v2 =	vld [tilespmem:s18+$0xFFFFFFF0];
	[tilespmem:s15+$0x1020 ss:$0x81] =	vst.msk $0xffff, v0;
	(pc) =	sbr.rel @p1 .LBB1_3-.Ltmp3, $4  }
0x36: {  	v0 =	vld [tilespmem:s18+$0x0];
	[tilespmem:s15+$0x0 ss:$0x81] =	vst.msk $0xffff, v1  }
0x37: {  	s15 =	sshra.s32 s19, $0x2;
	v1 =	vld [tilespmem:s18+$0xFFFFFFE0]  }
0x38: {  	s15 =	sadd.s32 s15, s16  }
0x39: {  	s18 =	sadd.s32 $0x40, s18;
	[tilespmem:s15+$0x1830 ss:$0x81] =	vst.msk $0xffff, v3  }
.Ltmp4:
0x3a: {  	_ = 	snop;
	(pc) =	sbr.rel .LBB1_4-.Ltmp4, $1  }
0x3b: {  	_ =	sdelay $0x3  }
.LBB1_6:
0x3c: {  	_ =	sfence.sel $0x180000  }
0x3d: {  	s2 =	simm.s32 $0x1;
	[bflag:$0x0] =	sbarrier.arrive $0xFFFF  }
0x3e: {  	s31 =	simm.s32 $0x2;
	[sflag:s2] =	ssyncpa.u1 $0x1  }
0x3f: {  	[sflag:s31] =	ssyncpa.u1 $0x1  }
0x40: {  	p0 =	sne.s32 s0, $0x0;
	_ =	strace $0x9000004A  }
0x41: {  	s0 =	sadd.s32 @!p0 $0x100000, s1;
	[bflag:$0x2] =	sbarrier.arrive $0xFFFF  }
0x42: {  	[sflag:s0] =	ssyncadd.tile.s32 @!p0 $0x1;
	_ =	shalt  }
.Lfunc_end1:
_tile_overlayer_lowered:
.L_overlay_start_2:
0x43: {  	(tag) =	ssettag $0x2  }
0x44: {  	s0 =	rddreg [dreg:$0x0];
	s2 =	stileid.u32  }
0x45: {  	s1 =	rddreg [dreg:$0x1];
	p0 =	sne.s32 s2, $0x0  }
0x46: {  	s3 =	rddreg [dreg:$0x2];
	[bflag:$0x3] =	sbarrier.arrive $0xFFFF;
	s2 =	simm.s32 @!p0 $0x1C01  }
0x47: {  	[timem:s3], [sflag:s2] =	dma.local @!p0 [hbm:s0], s1  }
0x48: {  	s0 =	simm.s32 @!p0 $0x1  }
0x49: {  	_ =	swait.ge @!p0 [sflag:s0], s1  }
0x4a: {  	s1 =	ssub.s32 @!p0 $0x0, s1;
	[sflag:s0] =	ssyncset.done @!p0 $0x0  }
0x4b: {  	[sflag:s0] =	ssyncadd.s32 @!p0 s1  }
0x4c: {  	[bflag:$0x3] =	sbarrier.arrive $0xFFFF  }
0x4d: {  	_ =	shalt  }

</sc_bundles>
